<compile_context>
chip_gen: v7x
topology: tpu7x:2x2x1
jax: 0.10.2.dev20260603
libtpu: 0.0.44.dev20260713+nightly
codegen_flags: <defaults>
</compile_context>

<pallas_src>
import jax
import jax.numpy as jnp
import numpy as np
from jax import lax
from jax.experimental import pallas as pl
from jax.experimental.pallas import tpu as pltpu, tpu_sc as plsc

CHAR = 256
B = 4096
S = 50
NW = 32
CPW = B // NW
NG = CPW // 16

_BL_TAB = np.arange(CPW, dtype=np.int32)
_WZ_POS = np.asarray([1, 1] + list(range(2, 16)), np.int32)


def _sc_body(xt_hbm, blt_hbm, wz_hbm, out_hbm,
             codes, bl_v, wz_v, buf0, buf1, sem0, sem1):
    c = lax.axis_index("c")
    s = lax.axis_index("s")
    wid = s * 2 + c
    col0 = wid * CPW

    zeros16 = jnp.zeros((16,), jnp.int32)
    ones16 = jnp.ones((16,), jnp.int32)

    pltpu.sync_copy(blt_hbm, bl_v)
    pltpu.sync_copy(wz_hbm, wz_v)
    pltpu.sync_copy(xt_hbm.at[:, pl.ds(col0, CPW)], codes)

    @pl.loop(0, CPW)
    def _zrow(r):
        for cg in range(CHAR // 16):
            buf0[r, pl.ds(cg * 16, 16)] = zeros16
            buf1[r, pl.ds(cg * 16, 16)] = zeros16

    def _scatter(buf, srow, val16, skip_col0):
        for g in range(NG):
            sl16 = pl.ds(g * 16, 16)
            if g == 0 and skip_col0:
                @pl.when(wid == 0)
                def _g0_dup():
                    wz = wz_v[pl.ds(0, 16)]
                    xv = plsc.load_gather(
                        codes, [jnp.full((16,), srow, jnp.int32), wz])
                    plsc.store_scatter(buf, [wz, xv], val16)

                @pl.when(wid != 0)
                def _g0_normal():
                    plsc.store_scatter(
                        buf, [bl_v[sl16], codes[srow, sl16]], val16)
            else:
                plsc.store_scatter(buf, [bl_v[sl16], codes[srow, sl16]], val16)

    def _slot(k, par, buf, sem):
        srow = 2 * k + par
        dst = out_hbm.at[srow, pl.ds(col0, CPW)]

        @pl.when(k > 0)
        def _recycle():
            pltpu.make_async_copy(buf, dst, sem).wait()
            _scatter(buf, srow - 2, zeros16, skip_col0=False)

        _scatter(buf, srow, ones16, skip_col0=True)
        pltpu.async_copy(buf, dst, sem)

    @pl.loop(0, S // 2)
    def _chunk(k):
        _slot(k, 0, buf0, sem0)
        _slot(k, 1, buf1, sem1)

    pltpu.make_async_copy(buf0, out_hbm.at[0, pl.ds(col0, CPW)], sem0).wait()
    pltpu.make_async_copy(buf1, out_hbm.at[0, pl.ds(col0, CPW)], sem1).wait()


def kernel(x):
    xt = x.T
    mesh = plsc.VectorSubcoreMesh(core_axis_name="c", subcore_axis_name="s")
    out_t = pl.kernel(
        _sc_body,
        mesh=mesh,
        compiler_params=pltpu.CompilerParams(needs_layout_passes=False),
        out_type=jax.ShapeDtypeStruct((S, B, CHAR), jnp.int32),
        scratch_types=[
            pltpu.VMEM((S, CPW), jnp.int32),
            pltpu.VMEM((CPW,), jnp.int32),
            pltpu.VMEM((16,), jnp.int32),
            pltpu.VMEM((CPW, CHAR), jnp.int32),
            pltpu.VMEM((CPW, CHAR), jnp.int32),
            pltpu.SemaphoreType.DMA,
            pltpu.SemaphoreType.DMA,
        ],
    )(xt, jnp.asarray(_BL_TAB), jnp.asarray(_WZ_POS))
    return jnp.swapaxes(out_t, 0, 1)

# --- scband reference (transcript-rebuilt; emitter-appended) ---
"""Pipeline reference for scband-char-quantization-82583631167916 (READ-ONLY COPY).

The authoritative reference and input builder live on the scoring server;
editing this copy changes nothing except your own understanding.
"""

import jax, jax.numpy as jnp
import numpy as np

CHAR_SIZE = 256
UNK_IDX = 0
BATCH = 4096
SEQ = 50


def setup_inputs(seed: int = 0) -> dict:
    key = jax.random.key(seed)
    x = jax.random.randint(key, (BATCH, SEQ), 0, CHAR_SIZE, dtype=jnp.int32)
    return {"x": x}


def reference(x):
    # F.one_hot(x, char_size) -> [B, S, char_size] integer one-hot
    y = jax.nn.one_hot(x, CHAR_SIZE, dtype=jnp.int32)
    # Faithful to torch: y[self.context.unk_idx] = 0 zeroes the slice at
    # index unk_idx along the FIRST dimension of y (the batch dim here).
    y = y.at[UNK_IDX].set(0)
    return y

if __name__ == "__main__":
    import jax
    _d = setup_inputs()
    print(jax.jit(kernel)(*tuple(_d.values())))

</pallas_src>

<mosaic_0001>
#map = affine_map<(d0, d1) -> (0, 0)>
#map1 = affine_map<(d0, d1) -> (0)>
#map2 = affine_map<(d0, d1) -> (0, 0, 0)>
module attributes {stable_mosaic.version = 14 : i64} {
  func.func @_sc_body(%arg0: i32, %arg1: i32, %arg2: memref<50x4096xi32, #tpu.memory_space<hbm>>, %arg3: memref<128xi32, #tpu.memory_space<hbm>>, %arg4: memref<16xi32, #tpu.memory_space<hbm>>, %arg5: memref<50x4096x256xi32, #tpu.memory_space<hbm>>, %arg6: memref<50x128xi32, #tpu.memory_space<vmem>>, %arg7: memref<128xi32, #tpu.memory_space<vmem>>, %arg8: memref<16xi32, #tpu.memory_space<vmem>>, %arg9: memref<128x256xi32, #tpu.memory_space<vmem>>, %arg10: memref<128x256xi32, #tpu.memory_space<vmem>>, %arg11: memref<!tpu.dma_semaphore, #tpu.memory_space<semaphore_mem>>, %arg12: memref<!tpu.dma_semaphore, #tpu.memory_space<semaphore_mem>>) attributes {dimension_semantics = [#tpu.dimension_semantics<core_parallel>, #tpu.dimension_semantics<subcore_parallel>], iteration_bounds = array<i64: 2, 16>, scalar_prefetch = 0 : i64, scratch_operands = 7 : i64, tpu.core_type = #tpu.core_type<sc_vector_subcore>, window_params = [{transform_indices = #map}, {transform_indices = #map1}, {transform_indices = #map1}, {transform_indices = #map2}]} {
    %mul3A = arith.constant 2 : i32
    %mul3A_0 = arith.muli %arg1, %mul3A : i32
    %add3A = arith.addi %mul3A_0, %arg0 : i32
    %mul3A_1 = arith.constant 128 : i32
    %mul3A_2 = arith.muli %add3A, %mul3A_1 : i32
    %broadcast_in_dim3A = arith.constant 0 : i32
    %broadcast_in_dim3A_3 = vector.broadcast %broadcast_in_dim3A : i32 to vector<16xi32>
    %broadcast_in_dim3A_4 = arith.constant 1 : i32
    %broadcast_in_dim3A_5 = vector.broadcast %broadcast_in_dim3A_4 : i32 to vector<16xi32>
    "tpu.region"() ({
      %run_scoped3A = tpu.sem_alloc : memref<!tpu.dma_semaphore, #tpu.memory_space<semaphore_mem>>
      tpu.enqueue_dma source(%arg3 : memref<128xi32, #tpu.memory_space<hbm>>) target(%arg7 : memref<128xi32, #tpu.memory_space<vmem>>) target_semaphore(%run_scoped3A : memref<!tpu.dma_semaphore, #tpu.memory_space<semaphore_mem>>)
      tpu.wait_dma2 semaphore(%run_scoped3A : memref<!tpu.dma_semaphore, #tpu.memory_space<semaphore_mem>>) src(%arg3 : memref<128xi32, #tpu.memory_space<hbm>>) dst(%arg7 : memref<128xi32, #tpu.memory_space<vmem>>)
      tpu.yield
    }) : () -> ()
    "tpu.region"() ({
      %run_scoped3A = tpu.sem_alloc : memref<!tpu.dma_semaphore, #tpu.memory_space<semaphore_mem>>
      tpu.enqueue_dma source(%arg4 : memref<16xi32, #tpu.memory_space<hbm>>) target(%arg8 : memref<16xi32, #tpu.memory_space<vmem>>) target_semaphore(%run_scoped3A : memref<!tpu.dma_semaphore, #tpu.memory_space<semaphore_mem>>)
      tpu.wait_dma2 semaphore(%run_scoped3A : memref<!tpu.dma_semaphore, #tpu.memory_space<semaphore_mem>>) src(%arg4 : memref<16xi32, #tpu.memory_space<hbm>>) dst(%arg8 : memref<16xi32, #tpu.memory_space<vmem>>)
      tpu.yield
    }) : () -> ()
    "tpu.region"() ({
      %run_scoped3A = tpu.sem_alloc : memref<!tpu.dma_semaphore, #tpu.memory_space<semaphore_mem>>
      %dma_start3A = arith.constant 0 : i32
      %dma_start3A_28 = tpu.memref_slice %arg2[%dma_start3A, %mul3A_2] : memref<50x4096xi32, #tpu.memory_space<hbm>> -> memref<50x128xi32, #tpu.memory_space<hbm>>
      %dma_start3A_29 = arith.constant 0 : i32
      %dma_start3A_30 = tpu.memref_slice %arg2[%dma_start3A_29, %mul3A_2] : memref<50x4096xi32, #tpu.memory_space<hbm>> -> memref<50x128xi32, #tpu.memory_space<hbm>>
      tpu.enqueue_dma source(%dma_start3A_30 : memref<50x128xi32, #tpu.memory_space<hbm>>) target(%arg6 : memref<50x128xi32, #tpu.memory_space<vmem>>) target_semaphore(%run_scoped3A : memref<!tpu.dma_semaphore, #tpu.memory_space<semaphore_mem>>)
      %dma_wait3A_31 = arith.constant 0 : i32
      %dma_wait3A_32 = tpu.memref_slice %arg2[%dma_wait3A_31, %mul3A_2] : memref<50x4096xi32, #tpu.memory_space<hbm>> -> memref<50x128xi32, #tpu.memory_space<hbm>>
      %dma_wait3A_33 = arith.constant 0 : i32
      %dma_wait3A_34 = tpu.memref_slice %arg2[%dma_wait3A_33, %mul3A_2] : memref<50x4096xi32, #tpu.memory_space<hbm>> -> memref<50x128xi32, #tpu.memory_space<hbm>>
      tpu.wait_dma2 semaphore(%run_scoped3A : memref<!tpu.dma_semaphore, #tpu.memory_space<semaphore_mem>>) src(%dma_wait3A_34 : memref<50x128xi32, #tpu.memory_space<hbm>>) dst(%arg6 : memref<50x128xi32, #tpu.memory_space<vmem>>)
      tpu.yield
    }) : () -> ()
    %scan3A = arith.constant 0 : i32
    %scan3A_6 = arith.constant 128 : i32
    %scan3A_7 = arith.addi %scan3A, %scan3A_6 : i32
    %scan3A_8 = arith.constant 1 : i32
    scf.for %scan3A_28 = %scan3A to %scan3A_7 step %scan3A_8  : i32 {
      %mul3A_29 = arith.constant 1 : i32
      %mul3A_30 = arith.muli %scan3A_28, %mul3A_29 : i32
      %add3A_31 = arith.constant 0 : i32
      %add3A_32 = arith.addi %add3A_31, %mul3A_30 : i32
      %swap3A = arith.index_cast %add3A_32 : i32 to index
      %swap3A_33 = arith.constant 0 : index
      %swap3A_34 = tpu.vector_load %arg9[%swap3A, %swap3A_33] {strides = array<i32>} : memref<128x256xi32, #tpu.memory_space<vmem>>, vector<16xi32>,
      tpu.vector_store %arg9[%swap3A, %swap3A_33], %broadcast_in_dim3A_3 {strides = array<i32>} : memref<128x256xi32, #tpu.memory_space<vmem>>, vector<16xi32>,
      %swap3A_35 = arith.index_cast %add3A_32 : i32 to index
      %swap3A_36 = arith.constant 0 : index
      %swap3A_37 = tpu.vector_load %arg10[%swap3A_35, %swap3A_36] {strides = array<i32>} : memref<128x256xi32, #tpu.memory_space<vmem>>, vector<16xi32>,
      tpu.vector_store %arg10[%swap3A_35, %swap3A_36], %broadcast_in_dim3A_3 {strides = array<i32>} : memref<128x256xi32, #tpu.memory_space<vmem>>, vector<16xi32>,
      %swap3A_38 = arith.index_cast %add3A_32 : i32 to index
      %swap3A_39 = arith.constant 16 : index
      %swap3A_40 = tpu.vector_load %arg9[%swap3A_38, %swap3A_39] {strides = array<i32>} : memref<128x256xi32, #tpu.memory_space<vmem>>, vector<16xi32>,
      tpu.vector_store %arg9[%swap3A_38, %swap3A_39], %broadcast_in_dim3A_3 {strides = array<i32>} : memref<128x256xi32, #tpu.memory_space<vmem>>, vector<16xi32>,
      %swap3A_41 = arith.index_cast %add3A_32 : i32 to index
      %swap3A_42 = arith.constant 16 : index
      %swap3A_43 = tpu.vector_load %arg10[%swap3A_41, %swap3A_42] {strides = array<i32>} : memref<128x256xi32, #tpu.memory_space<vmem>>, vector<16xi32>,
      tpu.vector_store %arg10[%swap3A_41, %swap3A_42], %broadcast_in_dim3A_3 {strides = array<i32>} : memref<128x256xi32, #tpu.memory_space<vmem>>, vector<16xi32>,
      %swap3A_44 = arith.index_cast %add3A_32 : i32 to index
      %swap3A_45 = arith.constant 32 : index
      %swap3A_46 = tpu.vector_load %arg9[%swap3A_44, %swap3A_45] {strides = array<i32>} : memref<128x256xi32, #tpu.memory_space<vmem>>, vector<16xi32>,
      tpu.vector_store %arg9[%swap3A_44, %swap3A_45], %broadcast_in_dim3A_3 {strides = array<i32>} : memref<128x256xi32, #tpu.memory_space<vmem>>, vector<16xi32>,
      %swap3A_47 = arith.index_cast %add3A_32 : i32 to index
      %swap3A_48 = arith.constant 32 : index
      %swap3A_49 = tpu.vector_load %arg10[%swap3A_47, %swap3A_48] {strides = array<i32>} : memref<128x256xi32, #tpu.memory_space<vmem>>, vector<16xi32>,
      tpu.vector_store %arg10[%swap3A_47, %swap3A_48], %broadcast_in_dim3A_3 {strides = array<i32>} : memref<128x256xi32, #tpu.memory_space<vmem>>, vector<16xi32>,
      %swap3A_50 = arith.index_cast %add3A_32 : i32 to index
      %swap3A_51 = arith.constant 48 : index
      %swap3A_52 = tpu.vector_load %arg9[%swap3A_50, %swap3A_51] {strides = array<i32>} : memref<128x256xi32, #tpu.memory_space<vmem>>, vector<16xi32>,
      tpu.vector_store %arg9[%swap3A_50, %swap3A_51], %broadcast_in_dim3A_3 {strides = array<i32>} : memref<128x256xi32, #tpu.memory_space<vmem>>, vector<16xi32>,
      %swap3A_53 = arith.index_cast %add3A_32 : i32 to index
      %swap3A_54 = arith.constant 48 : index
      %swap3A_55 = tpu.vector_load %arg10[%swap3A_53, %swap3A_54] {strides = array<i32>} : memref<128x256xi32, #tpu.memory_space<vmem>>, vector<16xi32>,
      tpu.vector_store %arg10[%swap3A_53, %swap3A_54], %broadcast_in_dim3A_3 {strides = array<i32>} : memref<128x256xi32, #tpu.memory_space<vmem>>, vector<16xi32>,
      %swap3A_56 = arith.index_cast %add3A_32 : i32 to index
      %swap3A_57 = arith.constant 64 : index
      %swap3A_58 = tpu.vector_load %arg9[%swap3A_56, %swap3A_57] {strides = array<i32>} : memref<128x256xi32, #tpu.memory_space<vmem>>, vector<16xi32>,
      tpu.vector_store %arg9[%swap3A_56, %swap3A_57], %broadcast_in_dim3A_3 {strides = array<i32>} : memref<128x256xi32, #tpu.memory_space<vmem>>, vector<16xi32>,
      %swap3A_59 = arith.index_cast %add3A_32 : i32 to index
      %swap3A_60 = arith.constant 64 : index
      %swap3A_61 = tpu.vector_load %arg10[%swap3A_59, %swap3A_60] {strides = array<i32>} : memref<128x256xi32, #tpu.memory_space<vmem>>, vector<16xi32>,
      tpu.vector_store %arg10[%swap3A_59, %swap3A_60], %broadcast_in_dim3A_3 {strides = array<i32>} : memref<128x256xi32, #tpu.memory_space<vmem>>, vector<16xi32>,
      %swap3A_62 = arith.index_cast %add3A_32 : i32 to index
      %swap3A_63 = arith.constant 80 : index
      %swap3A_64 = tpu.vector_load %arg9[%swap3A_62, %swap3A_63] {strides = array<i32>} : memref<128x256xi32, #tpu.memory_space<vmem>>, vector<16xi32>,
      tpu.vector_store %arg9[%swap3A_62, %swap3A_63], %broadcast_in_dim3A_3 {strides = array<i32>} : memref<128x256xi32, #tpu.memory_space<vmem>>, vector<16xi32>,
      %swap3A_65 = arith.index_cast %add3A_32 : i32 to index
      %swap3A_66 = arith.constant 80 : index
      %swap3A_67 = tpu.vector_load %arg10[%swap3A_65, %swap3A_66] {strides = array<i32>} : memref<128x256xi32, #tpu.memory_space<vmem>>, vector<16xi32>,
      tpu.vector_store %arg10[%swap3A_65, %swap3A_66], %broadcast_in_dim3A_3 {strides = array<i32>} : memref<128x256xi32, #tpu.memory_space<vmem>>, vector<16xi32>,
      %swap3A_68 = arith.index_cast %add3A_32 : i32 to index
      %swap3A_69 = arith.constant 96 : index
      %swap3A_70 = tpu.vector_load %arg9[%swap3A_68, %swap3A_69] {strides = array<i32>} : memref<128x256xi32, #tpu.memory_space<vmem>>, vector<16xi32>,
      tpu.vector_store %arg9[%swap3A_68, %swap3A_69], %broadcast_in_dim3A_3 {strides = array<i32>} : memref<128x256xi32, #tpu.memory_space<vmem>>, vector<16xi32>,
      %swap3A_71 = arith.index_cast %add3A_32 : i32 to index
      %swap3A_72 = arith.constant 96 : index
      %swap3A_73 = tpu.vector_load %arg10[%swap3A_71, %swap3A_72] {strides = array<i32>} : memref<128x256xi32, #tpu.memory_space<vmem>>, vector<16xi32>,
      tpu.vector_store %arg10[%swap3A_71, %swap3A_72], %broadcast_in_dim3A_3 {strides = array<i32>} : memref<128x256xi32, #tpu.memory_space<vmem>>, vector<16xi32>,
      %swap3A_74 = arith.index_cast %add3A_32 : i32 to index
      %swap3A_75 = arith.constant 112 : index
      %swap3A_76 = tpu.vector_load %arg9[%swap3A_74, %swap3A_75] {strides = array<i32>} : memref<128x256xi32, #tpu.memory_space<vmem>>, vector<16xi32>,
      tpu.vector_store %arg9[%swap3A_74, %swap3A_75], %broadcast_in_dim3A_3 {strides = array<i32>} : memref<128x256xi32, #tpu.memory_space<vmem>>, vector<16xi32>,
      %swap3A_77 = arith.index_cast %add3A_32 : i32 to index
      %swap3A_78 = arith.constant 112 : index
      %swap3A_79 = tpu.vector_load %arg10[%swap3A_77, %swap3A_78] {strides = array<i32>} : memref<128x256xi32, #tpu.memory_space<vmem>>, vector<16xi32>,
      tpu.vector_store %arg10[%swap3A_77, %swap3A_78], %broadcast_in_dim3A_3 {strides = array<i32>} : memref<128x256xi32, #tpu.memory_space<vmem>>, vector<16xi32>,
      %swap3A_80 = arith.index_cast %add3A_32 : i32 to index
      %swap3A_81 = arith.constant 128 : index
      %swap3A_82 = tpu.vector_load %arg9[%swap3A_80, %swap3A_81] {strides = array<i32>} : memref<128x256xi32, #tpu.memory_space<vmem>>, vector<16xi32>,
      tpu.vector_store %arg9[%swap3A_80, %swap3A_81], %broadcast_in_dim3A_3 {strides = array<i32>} : memref<128x256xi32, #tpu.memory_space<vmem>>, vector<16xi32>,
      %swap3A_83 = arith.index_cast %add3A_32 : i32 to index
      %swap3A_84 = arith.constant 128 : index
      %swap3A_85 = tpu.vector_load %arg10[%swap3A_83, %swap3A_84] {strides = array<i32>} : memref<128x256xi32, #tpu.memory_space<vmem>>, vector<16xi32>,
      tpu.vector_store %arg10[%swap3A_83, %swap3A_84], %broadcast_in_dim3A_3 {strides = array<i32>} : memref<128x256xi32, #tpu.memory_space<vmem>>, vector<16xi32>,
      %swap3A_86 = arith.index_cast %add3A_32 : i32 to index
      %swap3A_87 = arith.constant 144 : index
      %swap3A_88 = tpu.vector_load %arg9[%swap3A_86, %swap3A_87] {strides = array<i32>} : memref<128x256xi32, #tpu.memory_space<vmem>>, vector<16xi32>,
      tpu.vector_store %arg9[%swap3A_86, %swap3A_87], %broadcast_in_dim3A_3 {strides = array<i32>} : memref<128x256xi32, #tpu.memory_space<vmem>>, vector<16xi32>,
      %swap3A_89 = arith.index_cast %add3A_32 : i32 to index
      %swap3A_90 = arith.constant 144 : index
      %swap3A_91 = tpu.vector_load %arg10[%swap3A_89, %swap3A_90] {strides = array<i32>} : memref<128x256xi32, #tpu.memory_space<vmem>>, vector<16xi32>,
      tpu.vector_store %arg10[%swap3A_89, %swap3A_90], %broadcast_in_dim3A_3 {strides = array<i32>} : memref<128x256xi32, #tpu.memory_space<vmem>>, vector<16xi32>,
      %swap3A_92 = arith.index_cast %add3A_32 : i32 to index
      %swap3A_93 = arith.constant 160 : index
      %swap3A_94 = tpu.vector_load %arg9[%swap3A_92, %swap3A_93] {strides = array<i32>} : memref<128x256xi32, #tpu.memory_space<vmem>>, vector<16xi32>,
      tpu.vector_store %arg9[%swap3A_92, %swap3A_93], %broadcast_in_dim3A_3 {strides = array<i32>} : memref<128x256xi32, #tpu.memory_space<vmem>>, vector<16xi32>,
      %swap3A_95 = arith.index_cast %add3A_32 : i32 to index
      %swap3A_96 = arith.constant 160 : index
      %swap3A_97 = tpu.vector_load %arg10[%swap3A_95, %swap3A_96] {strides = array<i32>} : memref<128x256xi32, #tpu.memory_space<vmem>>, vector<16xi32>,
      tpu.vector_store %arg10[%swap3A_95, %swap3A_96], %broadcast_in_dim3A_3 {strides = array<i32>} : memref<128x256xi32, #tpu.memory_space<vmem>>, vector<16xi32>,
      %swap3A_98 = arith.index_cast %add3A_32 : i32 to index
      %swap3A_99 = arith.constant 176 : index
      %swap3A_100 = tpu.vector_load %arg9[%swap3A_98, %swap3A_99] {strides = array<i32>} : memref<128x256xi32, #tpu.memory_space<vmem>>, vector<16xi32>,
      tpu.vector_store %arg9[%swap3A_98, %swap3A_99], %broadcast_in_dim3A_3 {strides = array<i32>} : memref<128x256xi32, #tpu.memory_space<vmem>>, vector<16xi32>,
      %swap3A_101 = arith.index_cast %add3A_32 : i32 to index
      %swap3A_102 = arith.constant 176 : index
      %swap3A_103 = tpu.vector_load %arg10[%swap3A_101, %swap3A_102] {strides = array<i32>} : memref<128x256xi32, #tpu.memory_space<vmem>>, vector<16xi32>,
      tpu.vector_store %arg10[%swap3A_101, %swap3A_102], %broadcast_in_dim3A_3 {strides = array<i32>} : memref<128x256xi32, #tpu.memory_space<vmem>>, vector<16xi32>,
      %swap3A_104 = arith.index_cast %add3A_32 : i32 to index
      %swap3A_105 = arith.constant 192 : index
      %swap3A_106 = tpu.vector_load %arg9[%swap3A_104, %swap3A_105] {strides = array<i32>} : memref<128x256xi32, #tpu.memory_space<vmem>>, vector<16xi32>,
      tpu.vector_store %arg9[%swap3A_104, %swap3A_105], %broadcast_in_dim3A_3 {strides = array<i32>} : memref<128x256xi32, #tpu.memory_space<vmem>>, vector<16xi32>,
      %swap3A_107 = arith.index_cast %add3A_32 : i32 to index
      %swap3A_108 = arith.constant 192 : index
      %swap3A_109 = tpu.vector_load %arg10[%swap3A_107, %swap3A_108] {strides = array<i32>} : memref<128x256xi32, #tpu.memory_space<vmem>>, vector<16xi32>,
      tpu.vector_store %arg10[%swap3A_107, %swap3A_108], %broadcast_in_dim3A_3 {strides = array<i32>} : memref<128x256xi32, #tpu.memory_space<vmem>>, vector<16xi32>,
      %swap3A_110 = arith.index_cast %add3A_32 : i32 to index
      %swap3A_111 = arith.constant 208 : index
      %swap3A_112 = tpu.vector_load %arg9[%swap3A_110, %swap3A_111] {strides = array<i32>} : memref<128x256xi32, #tpu.memory_space<vmem>>, vector<16xi32>,
      tpu.vector_store %arg9[%swap3A_110, %swap3A_111], %broadcast_in_dim3A_3 {strides = array<i32>} : memref<128x256xi32, #tpu.memory_space<vmem>>, vector<16xi32>,
      %swap3A_113 = arith.index_cast %add3A_32 : i32 to index
      %swap3A_114 = arith.constant 208 : index
      %swap3A_115 = tpu.vector_load %arg10[%swap3A_113, %swap3A_114] {strides = array<i32>} : memref<128x256xi32, #tpu.memory_space<vmem>>, vector<16xi32>,
      tpu.vector_store %arg10[%swap3A_113, %swap3A_114], %broadcast_in_dim3A_3 {strides = array<i32>} : memref<128x256xi32, #tpu.memory_space<vmem>>, vector<16xi32>,
      %swap3A_116 = arith.index_cast %add3A_32 : i32 to index
      %swap3A_117 = arith.constant 224 : index
      %swap3A_118 = tpu.vector_load %arg9[%swap3A_116, %swap3A_117] {strides = array<i32>} : memref<128x256xi32, #tpu.memory_space<vmem>>, vector<16xi32>,
      tpu.vector_store %arg9[%swap3A_116, %swap3A_117], %broadcast_in_dim3A_3 {strides = array<i32>} : memref<128x256xi32, #tpu.memory_space<vmem>>, vector<16xi32>,
      %swap3A_119 = arith.index_cast %add3A_32 : i32 to index
      %swap3A_120 = arith.constant 224 : index
      %swap3A_121 = tpu.vector_load %arg10[%swap3A_119, %swap3A_120] {strides = array<i32>} : memref<128x256xi32, #tpu.memory_space<vmem>>, vector<16xi32>,
      tpu.vector_store %arg10[%swap3A_119, %swap3A_120], %broadcast_in_dim3A_3 {strides = array<i32>} : memref<128x256xi32, #tpu.memory_space<vmem>>, vector<16xi32>,
      %swap3A_122 = arith.index_cast %add3A_32 : i32 to index
      %swap3A_123 = arith.constant 240 : index
      %swap3A_124 = tpu.vector_load %arg9[%swap3A_122, %swap3A_123] {strides = array<i32>} : memref<128x256xi32, #tpu.memory_space<vmem>>, vector<16xi32>,
      tpu.vector_store %arg9[%swap3A_122, %swap3A_123], %broadcast_in_dim3A_3 {strides = array<i32>} : memref<128x256xi32, #tpu.memory_space<vmem>>, vector<16xi32>,
      %swap3A_125 = arith.index_cast %add3A_32 : i32 to index
      %swap3A_126 = arith.constant 240 : index
      %swap3A_127 = tpu.vector_load %arg10[%swap3A_125, %swap3A_126] {strides = array<i32>} : memref<128x256xi32, #tpu.memory_space<vmem>>, vector<16xi32>,
      tpu.vector_store %arg10[%swap3A_125, %swap3A_126], %broadcast_in_dim3A_3 {strides = array<i32>} : memref<128x256xi32, #tpu.memory_space<vmem>>, vector<16xi32>,
    }
    %scan3A_9 = arith.constant 128 : i32
    %scan3A_10 = arith.constant 0 : i32
    %scan3A_11 = arith.constant 25 : i32
    %scan3A_12 = arith.addi %scan3A_10, %scan3A_11 : i32
    %scan3A_13 = arith.constant 1 : i32
    scf.for %scan3A_28 = %scan3A_10 to %scan3A_12 step %scan3A_13  : i32 {
      %mul3A_29 = arith.constant 1 : i32
      %mul3A_30 = arith.muli %scan3A_28, %mul3A_29 : i32
      %add3A_31 = arith.constant 0 : i32
      %add3A_32 = arith.addi %add3A_31, %mul3A_30 : i32
      %mul3A_33 = arith.constant 2 : i32
      %mul3A_34 = arith.muli %mul3A_33, %add3A_32 : i32
      %add3A_35 = arith.constant 0 : i32
      %add3A_36 = arith.addi %mul3A_34, %add3A_35 : i32
      %gt3A = arith.constant 0 : i32
      %gt3A_37 = arith.cmpi sgt, %add3A_32, %gt3A : i32
      %convert_element_type3A = arith.extui %gt3A_37 : i1 to i32
      %cond3A = arith.constant 0 : i32
      %cond3A_38 = arith.cmpi ne, %convert_element_type3A, %cond3A : i32
      scf.if %cond3A_38 {
        %dma_wait3A_146 = arith.constant 0 : i32
        %dma_wait3A_147 = tpu.memref_slice %arg5[%add3A_36, %mul3A_2, %dma_wait3A_146] : memref<50x4096x256xi32, #tpu.memory_space<hbm>> -> memref<1x128x256xi32, #tpu.memory_space<hbm>>
        %dma_wait3A_148 = tpu.memref_squeeze %dma_wait3A_147 : memref<1x128x256xi32, #tpu.memory_space<hbm>> -> memref<128x256xi32, #tpu.memory_space<hbm>>
        %dma_wait3A_149 = arith.constant 0 : i32
        %dma_wait3A_150 = tpu.memref_slice %arg5[%add3A_36, %mul3A_2, %dma_wait3A_149] : memref<50x4096x256xi32, #tpu.memory_space<hbm>> -> memref<1x128x256xi32, #tpu.memory_space<hbm>>
        %dma_wait3A_151 = tpu.memref_squeeze %dma_wait3A_150 : memref<1x128x256xi32, #tpu.memory_space<hbm>> -> memref<128x256xi32, #tpu.memory_space<hbm>>
        tpu.wait_dma2 semaphore(%arg11 : memref<!tpu.dma_semaphore, #tpu.memory_space<semaphore_mem>>) src(%arg9 : memref<128x256xi32, #tpu.memory_space<vmem>>) dst(%dma_wait3A_151 : memref<128x256xi32, #tpu.memory_space<hbm>>)
        %sub3A = arith.constant 2 : i32
        %sub3A_152 = arith.subi %add3A_36, %sub3A : i32
        %get3A_153 = arith.constant 0 : index
        %get3A_154 = tpu.vector_load %arg7[%get3A_153] {strides = array<i32>} : memref<128xi32, #tpu.memory_space<vmem>>, vector<16xi32>,
        %get3A_155 = arith.index_cast %sub3A_152 : i32 to index
        %get3A_156 = arith.constant 0 : index
        %get3A_157 = tpu.vector_load %arg6[%get3A_155, %get3A_156] {strides = array<i32>} : memref<50x128xi32, #tpu.memory_space<vmem>>, vector<16xi32>,
        tpu.vector_store_idx %arg9[%get3A_154, %get3A_157], %broadcast_in_dim3A_3 : memref<128x256xi32, #tpu.memory_space<vmem>>[vector<16xi32>, vector<16xi32>], vector<16xi32>,
        %get3A_158 = arith.constant 16 : index
        %get3A_159 = tpu.vector_load %arg7[%get3A_158] {strides = array<i32>} : memref<128xi32, #tpu.memory_space<vmem>>, vector<16xi32>,
        %get3A_160 = arith.index_cast %sub3A_152 : i32 to index
        %get3A_161 = arith.constant 16 : index
        %get3A_162 = tpu.vector_load %arg6[%get3A_160, %get3A_161] {strides = array<i32>} : memref<50x128xi32, #tpu.memory_space<vmem>>, vector<16xi32>,
        tpu.vector_store_idx %arg9[%get3A_159, %get3A_162], %broadcast_in_dim3A_3 : memref<128x256xi32, #tpu.memory_space<vmem>>[vector<16xi32>, vector<16xi32>], vector<16xi32>,
        %get3A_163 = arith.constant 32 : index
        %get3A_164 = tpu.vector_load %arg7[%get3A_163] {strides = array<i32>} : memref<128xi32, #tpu.memory_space<vmem>>, vector<16xi32>,
        %get3A_165 = arith.index_cast %sub3A_152 : i32 to index
        %get3A_166 = arith.constant 32 : index
        %get3A_167 = tpu.vector_load %arg6[%get3A_165, %get3A_166] {strides = array<i32>} : memref<50x128xi32, #tpu.memory_space<vmem>>, vector<16xi32>,
        tpu.vector_store_idx %arg9[%get3A_164, %get3A_167], %broadcast_in_dim3A_3 : memref<128x256xi32, #tpu.memory_space<vmem>>[vector<16xi32>, vector<16xi32>], vector<16xi32>,
        %get3A_168 = arith.constant 48 : index
        %get3A_169 = tpu.vector_load %arg7[%get3A_168] {strides = array<i32>} : memref<128xi32, #tpu.memory_space<vmem>>, vector<16xi32>,
        %get3A_170 = arith.index_cast %sub3A_152 : i32 to index
        %get3A_171 = arith.constant 48 : index
        %get3A_172 = tpu.vector_load %arg6[%get3A_170, %get3A_171] {strides = array<i32>} : memref<50x128xi32, #tpu.memory_space<vmem>>, vector<16xi32>,
        tpu.vector_store_idx %arg9[%get3A_169, %get3A_172], %broadcast_in_dim3A_3 : memref<128x256xi32, #tpu.memory_space<vmem>>[vector<16xi32>, vector<16xi32>], vector<16xi32>,
        %get3A_173 = arith.constant 64 : index
        %get3A_174 = tpu.vector_load %arg7[%get3A_173] {strides = array<i32>} : memref<128xi32, #tpu.memory_space<vmem>>, vector<16xi32>,
        %get3A_175 = arith.index_cast %sub3A_152 : i32 to index
        %get3A_176 = arith.constant 64 : index
        %get3A_177 = tpu.vector_load %arg6[%get3A_175, %get3A_176] {strides = array<i32>} : memref<50x128xi32, #tpu.memory_space<vmem>>, vector<16xi32>,
        tpu.vector_store_idx %arg9[%get3A_174, %get3A_177], %broadcast_in_dim3A_3 : memref<128x256xi32, #tpu.memory_space<vmem>>[vector<16xi32>, vector<16xi32>], vector<16xi32>,
        %get3A_178 = arith.constant 80 : index
        %get3A_179 = tpu.vector_load %arg7[%get3A_178] {strides = array<i32>} : memref<128xi32, #tpu.memory_space<vmem>>, vector<16xi32>,
        %get3A_180 = arith.index_cast %sub3A_152 : i32 to index
        %get3A_181 = arith.constant 80 : index
        %get3A_182 = tpu.vector_load %arg6[%get3A_180, %get3A_181] {strides = array<i32>} : memref<50x128xi32, #tpu.memory_space<vmem>>, vector<16xi32>,
        tpu.vector_store_idx %arg9[%get3A_179, %get3A_182], %broadcast_in_dim3A_3 : memref<128x256xi32, #tpu.memory_space<vmem>>[vector<16xi32>, vector<16xi32>], vector<16xi32>,
        %get3A_183 = arith.constant 96 : index
        %get3A_184 = tpu.vector_load %arg7[%get3A_183] {strides = array<i32>} : memref<128xi32, #tpu.memory_space<vmem>>, vector<16xi32>,
        %get3A_185 = arith.index_cast %sub3A_152 : i32 to index
        %get3A_186 = arith.constant 96 : index
        %get3A_187 = tpu.vector_load %arg6[%get3A_185, %get3A_186] {strides = array<i32>} : memref<50x128xi32, #tpu.memory_space<vmem>>, vector<16xi32>,
        tpu.vector_store_idx %arg9[%get3A_184, %get3A_187], %broadcast_in_dim3A_3 : memref<128x256xi32, #tpu.memory_space<vmem>>[vector<16xi32>, vector<16xi32>], vector<16xi32>,
        %get3A_188 = arith.constant 112 : index
        %get3A_189 = tpu.vector_load %arg7[%get3A_188] {strides = array<i32>} : memref<128xi32, #tpu.memory_space<vmem>>, vector<16xi32>,
        %get3A_190 = arith.index_cast %sub3A_152 : i32 to index
        %get3A_191 = arith.constant 112 : index
        %get3A_192 = tpu.vector_load %arg6[%get3A_190, %get3A_191] {strides = array<i32>} : memref<50x128xi32, #tpu.memory_space<vmem>>, vector<16xi32>,
        tpu.vector_store_idx %arg9[%get3A_189, %get3A_192], %broadcast_in_dim3A_3 : memref<128x256xi32, #tpu.memory_space<vmem>>[vector<16xi32>, vector<16xi32>], vector<16xi32>,
      } else {
      }
      %eq3A = arith.constant 0 : i32
      %eq3A_39 = arith.cmpi eq, %add3A, %eq3A : i32
      %convert_element_type3A_40 = arith.extui %eq3A_39 : i1 to i32
      %cond3A_41 = arith.constant 0 : i32
      %cond3A_42 = arith.cmpi ne, %convert_element_type3A_40, %cond3A_41 : i32
      scf.if %cond3A_42 {
        %get3A_146 = arith.constant 0 : index
        %get3A_147 = tpu.vector_load %arg8[%get3A_146] {strides = array<i32>} : memref<16xi32, #tpu.memory_space<vmem>>, vector<16xi32>,
        %broadcast_in_dim3A_148 = vector.broadcast %add3A_36 : i32 to vector<16xi32>
        %gather3A = tpu.vector_load_idx %arg6[%broadcast_in_dim3A_148, %get3A_147] : memref<50x128xi32, #tpu.memory_space<vmem>>[vector<16xi32>, vector<16xi32>], vector<16xi32>,
        tpu.vector_store_idx %arg9[%get3A_147, %gather3A], %broadcast_in_dim3A_5 : memref<128x256xi32, #tpu.memory_space<vmem>>[vector<16xi32>, vector<16xi32>], vector<16xi32>,
      } else {
      }
      %ne3A = arith.constant 0 : i32
      %ne3A_43 = arith.cmpi ne, %add3A, %ne3A : i32
      %convert_element_type3A_44 = arith.extui %ne3A_43 : i1 to i32
      %cond3A_45 = arith.constant 0 : i32
      %cond3A_46 = arith.cmpi ne, %convert_element_type3A_44, %cond3A_45 : i32
      scf.if %cond3A_46 {
        %get3A_146 = arith.constant 0 : index
        %get3A_147 = tpu.vector_load %arg7[%get3A_146] {strides = array<i32>} : memref<128xi32, #tpu.memory_space<vmem>>, vector<16xi32>,
        %get3A_148 = arith.index_cast %add3A_36 : i32 to index
        %get3A_149 = arith.constant 0 : index
        %get3A_150 = tpu.vector_load %arg6[%get3A_148, %get3A_149] {strides = array<i32>} : memref<50x128xi32, #tpu.memory_space<vmem>>, vector<16xi32>,
        tpu.vector_store_idx %arg9[%get3A_147, %get3A_150], %broadcast_in_dim3A_5 : memref<128x256xi32, #tpu.memory_space<vmem>>[vector<16xi32>, vector<16xi32>], vector<16xi32>,
      } else {
      }
      %get3A = arith.constant 16 : index
      %get3A_47 = tpu.vector_load %arg7[%get3A] {strides = array<i32>} : memref<128xi32, #tpu.memory_space<vmem>>, vector<16xi32>,
      %get3A_48 = arith.index_cast %add3A_36 : i32 to index
      %get3A_49 = arith.constant 16 : index
      %get3A_50 = tpu.vector_load %arg6[%get3A_48, %get3A_49] {strides = array<i32>} : memref<50x128xi32, #tpu.memory_space<vmem>>, vector<16xi32>,
      tpu.vector_store_idx %arg9[%get3A_47, %get3A_50], %broadcast_in_dim3A_5 : memref<128x256xi32, #tpu.memory_space<vmem>>[vector<16xi32>, vector<16xi32>], vector<16xi32>,
      %get3A_51 = arith.constant 32 : index
      %get3A_52 = tpu.vector_load %arg7[%get3A_51] {strides = array<i32>} : memref<128xi32, #tpu.memory_space<vmem>>, vector<16xi32>,
      %get3A_53 = arith.index_cast %add3A_36 : i32 to index
      %get3A_54 = arith.constant 32 : index
      %get3A_55 = tpu.vector_load %arg6[%get3A_53, %get3A_54] {strides = array<i32>} : memref<50x128xi32, #tpu.memory_space<vmem>>, vector<16xi32>,
      tpu.vector_store_idx %arg9[%get3A_52, %get3A_55], %broadcast_in_dim3A_5 : memref<128x256xi32, #tpu.memory_space<vmem>>[vector<16xi32>, vector<16xi32>], vector<16xi32>,
      %get3A_56 = arith.constant 48 : index
      %get3A_57 = tpu.vector_load %arg7[%get3A_56] {strides = array<i32>} : memref<128xi32, #tpu.memory_space<vmem>>, vector<16xi32>,
      %get3A_58 = arith.index_cast %add3A_36 : i32 to index
      %get3A_59 = arith.constant 48 : index
      %get3A_60 = tpu.vector_load %arg6[%get3A_58, %get3A_59] {strides = array<i32>} : memref<50x128xi32, #tpu.memory_space<vmem>>, vector<16xi32>,
      tpu.vector_store_idx %arg9[%get3A_57, %get3A_60], %broadcast_in_dim3A_5 : memref<128x256xi32, #tpu.memory_space<vmem>>[vector<16xi32>, vector<16xi32>], vector<16xi32>,
      %get3A_61 = arith.constant 64 : index
      %get3A_62 = tpu.vector_load %arg7[%get3A_61] {strides = array<i32>} : memref<128xi32, #tpu.memory_space<vmem>>, vector<16xi32>,
      %get3A_63 = arith.index_cast %add3A_36 : i32 to index
      %get3A_64 = arith.constant 64 : index
      %get3A_65 = tpu.vector_load %arg6[%get3A_63, %get3A_64] {strides = array<i32>} : memref<50x128xi32, #tpu.memory_space<vmem>>, vector<16xi32>,
      tpu.vector_store_idx %arg9[%get3A_62, %get3A_65], %broadcast_in_dim3A_5 : memref<128x256xi32, #tpu.memory_space<vmem>>[vector<16xi32>, vector<16xi32>], vector<16xi32>,
      %get3A_66 = arith.constant 80 : index
      %get3A_67 = tpu.vector_load %arg7[%get3A_66] {strides = array<i32>} : memref<128xi32, #tpu.memory_space<vmem>>, vector<16xi32>,
      %get3A_68 = arith.index_cast %add3A_36 : i32 to index
      %get3A_69 = arith.constant 80 : index
      %get3A_70 = tpu.vector_load %arg6[%get3A_68, %get3A_69] {strides = array<i32>} : memref<50x128xi32, #tpu.memory_space<vmem>>, vector<16xi32>,
      tpu.vector_store_idx %arg9[%get3A_67, %get3A_70], %broadcast_in_dim3A_5 : memref<128x256xi32, #tpu.memory_space<vmem>>[vector<16xi32>, vector<16xi32>], vector<16xi32>,
      %get3A_71 = arith.constant 96 : index
      %get3A_72 = tpu.vector_load %arg7[%get3A_71] {strides = array<i32>} : memref<128xi32, #tpu.memory_space<vmem>>, vector<16xi32>,
      %get3A_73 = arith.index_cast %add3A_36 : i32 to index
      %get3A_74 = arith.constant 96 : index
      %get3A_75 = tpu.vector_load %arg6[%get3A_73, %get3A_74] {strides = array<i32>} : memref<50x128xi32, #tpu.memory_space<vmem>>, vector<16xi32>,
      tpu.vector_store_idx %arg9[%get3A_72, %get3A_75], %broadcast_in_dim3A_5 : memref<128x256xi32, #tpu.memory_space<vmem>>[vector<16xi32>, vector<16xi32>], vector<16xi32>,
      %get3A_76 = arith.constant 112 : index
      %get3A_77 = tpu.vector_load %arg7[%get3A_76] {strides = array<i32>} : memref<128xi32, #tpu.memory_space<vmem>>, vector<16xi32>,
      %get3A_78 = arith.index_cast %add3A_36 : i32 to index
      %get3A_79 = arith.constant 112 : index
      %get3A_80 = tpu.vector_load %arg6[%get3A_78, %get3A_79] {strides = array<i32>} : memref<50x128xi32, #tpu.memory_space<vmem>>, vector<16xi32>,
      tpu.vector_store_idx %arg9[%get3A_77, %get3A_80], %broadcast_in_dim3A_5 : memref<128x256xi32, #tpu.memory_space<vmem>>[vector<16xi32>, vector<16xi32>], vector<16xi32>,
      %dma_start3A = arith.constant 0 : i32
      %dma_start3A_81 = tpu.memref_slice %arg5[%add3A_36, %mul3A_2, %dma_start3A] : memref<50x4096x256xi32, #tpu.memory_space<hbm>> -> memref<1x128x256xi32, #tpu.memory_space<hbm>>
      %dma_start3A_82 = tpu.memref_squeeze %dma_start3A_81 : memref<1x128x256xi32, #tpu.memory_space<hbm>> -> memref<128x256xi32, #tpu.memory_space<hbm>>
      %dma_start3A_83 = arith.constant 0 : i32
      %dma_start3A_84 = tpu.memref_slice %arg5[%add3A_36, %mul3A_2, %dma_start3A_83] : memref<50x4096x256xi32, #tpu.memory_space<hbm>> -> memref<1x128x256xi32, #tpu.memory_space<hbm>>
      %dma_start3A_85 = tpu.memref_squeeze %dma_start3A_84 : memref<1x128x256xi32, #tpu.memory_space<hbm>> -> memref<128x256xi32, #tpu.memory_space<hbm>>
      tpu.enqueue_dma source(%arg9 : memref<128x256xi32, #tpu.memory_space<vmem>>) target(%dma_start3A_85 : memref<128x256xi32, #tpu.memory_space<hbm>>) target_semaphore(%arg11 : memref<!tpu.dma_semaphore, #tpu.memory_space<semaphore_mem>>)
      %mul3A_86 = arith.constant 2 : i32
      %mul3A_87 = arith.muli %mul3A_86, %add3A_32 : i32
      %add3A_88 = arith.constant 1 : i32
      %add3A_89 = arith.addi %mul3A_87, %add3A_88 : i32
      %gt3A_90 = arith.constant 0 : i32
      %gt3A_91 = arith.cmpi sgt, %add3A_32, %gt3A_90 : i32
      %convert_element_type3A_92 = arith.extui %gt3A_91 : i1 to i32
      %cond3A_93 = arith.constant 0 : i32
      %cond3A_94 = arith.cmpi ne, %convert_element_type3A_92, %cond3A_93 : i32
      scf.if %cond3A_94 {
        %dma_wait3A_146 = arith.constant 0 : i32
        %dma_wait3A_147 = tpu.memref_slice %arg5[%add3A_89, %mul3A_2, %dma_wait3A_146] : memref<50x4096x256xi32, #tpu.memory_space<hbm>> -> memref<1x128x256xi32, #tpu.memory_space<hbm>>
        %dma_wait3A_148 = tpu.memref_squeeze %dma_wait3A_147 : memref<1x128x256xi32, #tpu.memory_space<hbm>> -> memref<128x256xi32, #tpu.memory_space<hbm>>
        %dma_wait3A_149 = arith.constant 0 : i32
        %dma_wait3A_150 = tpu.memref_slice %arg5[%add3A_89, %mul3A_2, %dma_wait3A_149] : memref<50x4096x256xi32, #tpu.memory_space<hbm>> -> memref<1x128x256xi32, #tpu.memory_space<hbm>>
        %dma_wait3A_151 = tpu.memref_squeeze %dma_wait3A_150 : memref<1x128x256xi32, #tpu.memory_space<hbm>> -> memref<128x256xi32, #tpu.memory_space<hbm>>
        tpu.wait_dma2 semaphore(%arg12 : memref<!tpu.dma_semaphore, #tpu.memory_space<semaphore_mem>>) src(%arg10 : memref<128x256xi32, #tpu.memory_space<vmem>>) dst(%dma_wait3A_151 : memref<128x256xi32, #tpu.memory_space<hbm>>)
        %sub3A = arith.constant 2 : i32
        %sub3A_152 = arith.subi %add3A_89, %sub3A : i32
        %get3A_153 = arith.constant 0 : index
        %get3A_154 = tpu.vector_load %arg7[%get3A_153] {strides = array<i32>} : memref<128xi32, #tpu.memory_space<vmem>>, vector<16xi32>,
        %get3A_155 = arith.index_cast %sub3A_152 : i32 to index
        %get3A_156 = arith.constant 0 : index
        %get3A_157 = tpu.vector_load %arg6[%get3A_155, %get3A_156] {strides = array<i32>} : memref<50x128xi32, #tpu.memory_space<vmem>>, vector<16xi32>,
        tpu.vector_store_idx %arg10[%get3A_154, %get3A_157], %broadcast_in_dim3A_3 : memref<128x256xi32, #tpu.memory_space<vmem>>[vector<16xi32>, vector<16xi32>], vector<16xi32>,
        %get3A_158 = arith.constant 16 : index
        %get3A_159 = tpu.vector_load %arg7[%get3A_158] {strides = array<i32>} : memref<128xi32, #tpu.memory_space<vmem>>, vector<16xi32>,
        %get3A_160 = arith.index_cast %sub3A_152 : i32 to index
        %get3A_161 = arith.constant 16 : index
        %get3A_162 = tpu.vector_load %arg6[%get3A_160, %get3A_161] {strides = array<i32>} : memref<50x128xi32, #tpu.memory_space<vmem>>, vector<16xi32>,
        tpu.vector_store_idx %arg10[%get3A_159, %get3A_162], %broadcast_in_dim3A_3 : memref<128x256xi32, #tpu.memory_space<vmem>>[vector<16xi32>, vector<16xi32>], vector<16xi32>,
        %get3A_163 = arith.constant 32 : index
        %get3A_164 = tpu.vector_load %arg7[%get3A_163] {strides = array<i32>} : memref<128xi32, #tpu.memory_space<vmem>>, vector<16xi32>,
        %get3A_165 = arith.index_cast %sub3A_152 : i32 to index
        %get3A_166 = arith.constant 32 : index
        %get3A_167 = tpu.vector_load %arg6[%get3A_165, %get3A_166] {strides = array<i32>} : memref<50x128xi32, #tpu.memory_space<vmem>>, vector<16xi32>,
        tpu.vector_store_idx %arg10[%get3A_164, %get3A_167], %broadcast_in_dim3A_3 : memref<128x256xi32, #tpu.memory_space<vmem>>[vector<16xi32>, vector<16xi32>], vector<16xi32>,
        %get3A_168 = arith.constant 48 : index
        %get3A_169 = tpu.vector_load %arg7[%get3A_168] {strides = array<i32>} : memref<128xi32, #tpu.memory_space<vmem>>, vector<16xi32>,
        %get3A_170 = arith.index_cast %sub3A_152 : i32 to index
        %get3A_171 = arith.constant 48 : index
        %get3A_172 = tpu.vector_load %arg6[%get3A_170, %get3A_171] {strides = array<i32>} : memref<50x128xi32, #tpu.memory_space<vmem>>, vector<16xi32>,
        tpu.vector_store_idx %arg10[%get3A_169, %get3A_172], %broadcast_in_dim3A_3 : memref<128x256xi32, #tpu.memory_space<vmem>>[vector<16xi32>, vector<16xi32>], vector<16xi32>,
        %get3A_173 = arith.constant 64 : index
        %get3A_174 = tpu.vector_load %arg7[%get3A_173] {strides = array<i32>} : memref<128xi32, #tpu.memory_space<vmem>>, vector<16xi32>,
        %get3A_175 = arith.index_cast %sub3A_152 : i32 to index
        %get3A_176 = arith.constant 64 : index
        %get3A_177 = tpu.vector_load %arg6[%get3A_175, %get3A_176] {strides = array<i32>} : memref<50x128xi32, #tpu.memory_space<vmem>>, vector<16xi32>,
        tpu.vector_store_idx %arg10[%get3A_174, %get3A_177], %broadcast_in_dim3A_3 : memref<128x256xi32, #tpu.memory_space<vmem>>[vector<16xi32>, vector<16xi32>], vector<16xi32>,
        %get3A_178 = arith.constant 80 : index
        %get3A_179 = tpu.vector_load %arg7[%get3A_178] {strides = array<i32>} : memref<128xi32, #tpu.memory_space<vmem>>, vector<16xi32>,
        %get3A_180 = arith.index_cast %sub3A_152 : i32 to index
        %get3A_181 = arith.constant 80 : index
        %get3A_182 = tpu.vector_load %arg6[%get3A_180, %get3A_181] {strides = array<i32>} : memref<50x128xi32, #tpu.memory_space<vmem>>, vector<16xi32>,
        tpu.vector_store_idx %arg10[%get3A_179, %get3A_182], %broadcast_in_dim3A_3 : memref<128x256xi32, #tpu.memory_space<vmem>>[vector<16xi32>, vector<16xi32>], vector<16xi32>,
        %get3A_183 = arith.constant 96 : index
        %get3A_184 = tpu.vector_load %arg7[%get3A_183] {strides = array<i32>} : memref<128xi32, #tpu.memory_space<vmem>>, vector<16xi32>,
        %get3A_185 = arith.index_cast %sub3A_152 : i32 to index
        %get3A_186 = arith.constant 96 : index
        %get3A_187 = tpu.vector_load %arg6[%get3A_185, %get3A_186] {strides = array<i32>} : memref<50x128xi32, #tpu.memory_space<vmem>>, vector<16xi32>,
        tpu.vector_store_idx %arg10[%get3A_184, %get3A_187], %broadcast_in_dim3A_3 : memref<128x256xi32, #tpu.memory_space<vmem>>[vector<16xi32>, vector<16xi32>], vector<16xi32>,
        %get3A_188 = arith.constant 112 : index
        %get3A_189 = tpu.vector_load %arg7[%get3A_188] {strides = array<i32>} : memref<128xi32, #tpu.memory_space<vmem>>, vector<16xi32>,
        %get3A_190 = arith.index_cast %sub3A_152 : i32 to index
        %get3A_191 = arith.constant 112 : index
        %get3A_192 = tpu.vector_load %arg6[%get3A_190, %get3A_191] {strides = array<i32>} : memref<50x128xi32, #tpu.memory_space<vmem>>, vector<16xi32>,
        tpu.vector_store_idx %arg10[%get3A_189, %get3A_192], %broadcast_in_dim3A_3 : memref<128x256xi32, #tpu.memory_space<vmem>>[vector<16xi32>, vector<16xi32>], vector<16xi32>,
      } else {
      }
      %eq3A_95 = arith.constant 0 : i32
      %eq3A_96 = arith.cmpi eq, %add3A, %eq3A_95 : i32
      %convert_element_type3A_97 = arith.extui %eq3A_96 : i1 to i32
      %cond3A_98 = arith.constant 0 : i32
      %cond3A_99 = arith.cmpi ne, %convert_element_type3A_97, %cond3A_98 : i32
      scf.if %cond3A_99 {
        %get3A_146 = arith.constant 0 : index
        %get3A_147 = tpu.vector_load %arg8[%get3A_146] {strides = array<i32>} : memref<16xi32, #tpu.memory_space<vmem>>, vector<16xi32>,
        %broadcast_in_dim3A_148 = vector.broadcast %add3A_89 : i32 to vector<16xi32>
        %gather3A = tpu.vector_load_idx %arg6[%broadcast_in_dim3A_148, %get3A_147] : memref<50x128xi32, #tpu.memory_space<vmem>>[vector<16xi32>, vector<16xi32>], vector<16xi32>,
        tpu.vector_store_idx %arg10[%get3A_147, %gather3A], %broadcast_in_dim3A_5 : memref<128x256xi32, #tpu.memory_space<vmem>>[vector<16xi32>, vector<16xi32>], vector<16xi32>,
      } else {
      }
      %ne3A_100 = arith.constant 0 : i32
      %ne3A_101 = arith.cmpi ne, %add3A, %ne3A_100 : i32
      %convert_element_type3A_102 = arith.extui %ne3A_101 : i1 to i32
      %cond3A_103 = arith.constant 0 : i32
      %cond3A_104 = arith.cmpi ne, %convert_element_type3A_102, %cond3A_103 : i32
      scf.if %cond3A_104 {
        %get3A_146 = arith.constant 0 : index
        %get3A_147 = tpu.vector_load %arg7[%get3A_146] {strides = array<i32>} : memref<128xi32, #tpu.memory_space<vmem>>, vector<16xi32>,
        %get3A_148 = arith.index_cast %add3A_89 : i32 to index
        %get3A_149 = arith.constant 0 : index
        %get3A_150 = tpu.vector_load %arg6[%get3A_148, %get3A_149] {strides = array<i32>} : memref<50x128xi32, #tpu.memory_space<vmem>>, vector<16xi32>,
        tpu.vector_store_idx %arg10[%get3A_147, %get3A_150], %broadcast_in_dim3A_5 : memref<128x256xi32, #tpu.memory_space<vmem>>[vector<16xi32>, vector<16xi32>], vector<16xi32>,
      } else {
      }
      %get3A_105 = arith.constant 16 : index
      %get3A_106 = tpu.vector_load %arg7[%get3A_105] {strides = array<i32>} : memref<128xi32, #tpu.memory_space<vmem>>, vector<16xi32>,
      %get3A_107 = arith.index_cast %add3A_89 : i32 to index
      %get3A_108 = arith.constant 16 : index
      %get3A_109 = tpu.vector_load %arg6[%get3A_107, %get3A_108] {strides = array<i32>} : memref<50x128xi32, #tpu.memory_space<vmem>>, vector<16xi32>,
      tpu.vector_store_idx %arg10[%get3A_106, %get3A_109], %broadcast_in_dim3A_5 : memref<128x256xi32, #tpu.memory_space<vmem>>[vector<16xi32>, vector<16xi32>], vector<16xi32>,
      %get3A_110 = arith.constant 32 : index
      %get3A_111 = tpu.vector_load %arg7[%get3A_110] {strides = array<i32>} : memref<128xi32, #tpu.memory_space<vmem>>, vector<16xi32>,
      %get3A_112 = arith.index_cast %add3A_89 : i32 to index
      %get3A_113 = arith.constant 32 : index
      %get3A_114 = tpu.vector_load %arg6[%get3A_112, %get3A_113] {strides = array<i32>} : memref<50x128xi32, #tpu.memory_space<vmem>>, vector<16xi32>,
      tpu.vector_store_idx %arg10[%get3A_111, %get3A_114], %broadcast_in_dim3A_5 : memref<128x256xi32, #tpu.memory_space<vmem>>[vector<16xi32>, vector<16xi32>], vector<16xi32>,
      %get3A_115 = arith.constant 48 : index
      %get3A_116 = tpu.vector_load %arg7[%get3A_115] {strides = array<i32>} : memref<128xi32, #tpu.memory_space<vmem>>, vector<16xi32>,
      %get3A_117 = arith.index_cast %add3A_89 : i32 to index
      %get3A_118 = arith.constant 48 : index
      %get3A_119 = tpu.vector_load %arg6[%get3A_117, %get3A_118] {strides = array<i32>} : memref<50x128xi32, #tpu.memory_space<vmem>>, vector<16xi32>,
      tpu.vector_store_idx %arg10[%get3A_116, %get3A_119], %broadcast_in_dim3A_5 : memref<128x256xi32, #tpu.memory_space<vmem>>[vector<16xi32>, vector<16xi32>], vector<16xi32>,
      %get3A_120 = arith.constant 64 : index
      %get3A_121 = tpu.vector_load %arg7[%get3A_120] {strides = array<i32>} : memref<128xi32, #tpu.memory_space<vmem>>, vector<16xi32>,
      %get3A_122 = arith.index_cast %add3A_89 : i32 to index
      %get3A_123 = arith.constant 64 : index
      %get3A_124 = tpu.vector_load %arg6[%get3A_122, %get3A_123] {strides = array<i32>} : memref<50x128xi32, #tpu.memory_space<vmem>>, vector<16xi32>,
      tpu.vector_store_idx %arg10[%get3A_121, %get3A_124], %broadcast_in_dim3A_5 : memref<128x256xi32, #tpu.memory_space<vmem>>[vector<16xi32>, vector<16xi32>], vector<16xi32>,
      %get3A_125 = arith.constant 80 : index
      %get3A_126 = tpu.vector_load %arg7[%get3A_125] {strides = array<i32>} : memref<128xi32, #tpu.memory_space<vmem>>, vector<16xi32>,
      %get3A_127 = arith.index_cast %add3A_89 : i32 to index
      %get3A_128 = arith.constant 80 : index
      %get3A_129 = tpu.vector_load %arg6[%get3A_127, %get3A_128] {strides = array<i32>} : memref<50x128xi32, #tpu.memory_space<vmem>>, vector<16xi32>,
      tpu.vector_store_idx %arg10[%get3A_126, %get3A_129], %broadcast_in_dim3A_5 : memref<128x256xi32, #tpu.memory_space<vmem>>[vector<16xi32>, vector<16xi32>], vector<16xi32>,
      %get3A_130 = arith.constant 96 : index
      %get3A_131 = tpu.vector_load %arg7[%get3A_130] {strides = array<i32>} : memref<128xi32, #tpu.memory_space<vmem>>, vector<16xi32>,
      %get3A_132 = arith.index_cast %add3A_89 : i32 to index
      %get3A_133 = arith.constant 96 : index
      %get3A_134 = tpu.vector_load %arg6[%get3A_132, %get3A_133] {strides = array<i32>} : memref<50x128xi32, #tpu.memory_space<vmem>>, vector<16xi32>,
      tpu.vector_store_idx %arg10[%get3A_131, %get3A_134], %broadcast_in_dim3A_5 : memref<128x256xi32, #tpu.memory_space<vmem>>[vector<16xi32>, vector<16xi32>], vector<16xi32>,
      %get3A_135 = arith.constant 112 : index
      %get3A_136 = tpu.vector_load %arg7[%get3A_135] {strides = array<i32>} : memref<128xi32, #tpu.memory_space<vmem>>, vector<16xi32>,
      %get3A_137 = arith.index_cast %add3A_89 : i32 to index
      %get3A_138 = arith.constant 112 : index
      %get3A_139 = tpu.vector_load %arg6[%get3A_137, %get3A_138] {strides = array<i32>} : memref<50x128xi32, #tpu.memory_space<vmem>>, vector<16xi32>,
      tpu.vector_store_idx %arg10[%get3A_136, %get3A_139], %broadcast_in_dim3A_5 : memref<128x256xi32, #tpu.memory_space<vmem>>[vector<16xi32>, vector<16xi32>], vector<16xi32>,
      %dma_start3A_140 = arith.constant 0 : i32
      %dma_start3A_141 = tpu.memref_slice %arg5[%add3A_89, %mul3A_2, %dma_start3A_140] : memref<50x4096x256xi32, #tpu.memory_space<hbm>> -> memref<1x128x256xi32, #tpu.memory_space<hbm>>
      %dma_start3A_142 = tpu.memref_squeeze %dma_start3A_141 : memref<1x128x256xi32, #tpu.memory_space<hbm>> -> memref<128x256xi32, #tpu.memory_space<hbm>>
      %dma_start3A_143 = arith.constant 0 : i32
      %dma_start3A_144 = tpu.memref_slice %arg5[%add3A_89, %mul3A_2, %dma_start3A_143] : memref<50x4096x256xi32, #tpu.memory_space<hbm>> -> memref<1x128x256xi32, #tpu.memory_space<hbm>>
      %dma_start3A_145 = tpu.memref_squeeze %dma_start3A_144 : memref<1x128x256xi32, #tpu.memory_space<hbm>> -> memref<128x256xi32, #tpu.memory_space<hbm>>
      tpu.enqueue_dma source(%arg10 : memref<128x256xi32, #tpu.memory_space<vmem>>) target(%dma_start3A_145 : memref<128x256xi32, #tpu.memory_space<hbm>>) target_semaphore(%arg12 : memref<!tpu.dma_semaphore, #tpu.memory_space<semaphore_mem>>)
    }
    %scan3A_14 = arith.constant 25 : i32
    %dma_wait3A = arith.constant 0 : i32
    %dma_wait3A_15 = arith.constant 0 : i32
    %dma_wait3A_16 = tpu.memref_slice %arg5[%dma_wait3A, %mul3A_2, %dma_wait3A_15] : memref<50x4096x256xi32, #tpu.memory_space<hbm>> -> memref<1x128x256xi32, #tpu.memory_space<hbm>>
    %dma_wait3A_17 = tpu.memref_squeeze %dma_wait3A_16 : memref<1x128x256xi32, #tpu.memory_space<hbm>> -> memref<128x256xi32, #tpu.memory_space<hbm>>
    %dma_wait3A_18 = arith.constant 0 : i32
    %dma_wait3A_19 = tpu.memref_slice %arg5[%dma_wait3A, %mul3A_2, %dma_wait3A_18] : memref<50x4096x256xi32, #tpu.memory_space<hbm>> -> memref<1x128x256xi32, #tpu.memory_space<hbm>>
    %dma_wait3A_20 = tpu.memref_squeeze %dma_wait3A_19 : memref<1x128x256xi32, #tpu.memory_space<hbm>> -> memref<128x256xi32, #tpu.memory_space<hbm>>
    tpu.wait_dma2 semaphore(%arg11 : memref<!tpu.dma_semaphore, #tpu.memory_space<semaphore_mem>>) src(%arg9 : memref<128x256xi32, #tpu.memory_space<vmem>>) dst(%dma_wait3A_20 : memref<128x256xi32, #tpu.memory_space<hbm>>)
    %dma_wait3A_21 = arith.constant 0 : i32
    %dma_wait3A_22 = arith.constant 0 : i32
    %dma_wait3A_23 = tpu.memref_slice %arg5[%dma_wait3A_21, %mul3A_2, %dma_wait3A_22] : memref<50x4096x256xi32, #tpu.memory_space<hbm>> -> memref<1x128x256xi32, #tpu.memory_space<hbm>>
    %dma_wait3A_24 = tpu.memref_squeeze %dma_wait3A_23 : memref<1x128x256xi32, #tpu.memory_space<hbm>> -> memref<128x256xi32, #tpu.memory_space<hbm>>
    %dma_wait3A_25 = arith.constant 0 : i32
    %dma_wait3A_26 = tpu.memref_slice %arg5[%dma_wait3A_21, %mul3A_2, %dma_wait3A_25] : memref<50x4096x256xi32, #tpu.memory_space<hbm>> -> memref<1x128x256xi32, #tpu.memory_space<hbm>>
    %dma_wait3A_27 = tpu.memref_squeeze %dma_wait3A_26 : memref<1x128x256xi32, #tpu.memory_space<hbm>> -> memref<128x256xi32, #tpu.memory_space<hbm>>
    tpu.wait_dma2 semaphore(%arg12 : memref<!tpu.dma_semaphore, #tpu.memory_space<semaphore_mem>>) src(%arg10 : memref<128x256xi32, #tpu.memory_space<vmem>>) dst(%dma_wait3A_27 : memref<128x256xi32, #tpu.memory_space<hbm>>)
    return
  }
}

</mosaic_0001>

<sc_bundles>
// kernel: kernel.3.cloned.1.call-start
scs
__scs_entry_jumppad:
0x0: {  	(pc) =	sbr.rel $0x88, $3  }
0x1: {  	(tag) =	ssettag $0x0;
	lr =	simm.s32 $0x1  }
0x2: {  	[smem:$0x3FA0] =	sst lr;
	_ =	strace $0xD0000000  }
0x3: {  	_ = 	snop  }
0x4: {  	_ = 	snop  }
0x5: {  	_ = 	snop  }
0x6: {  	_ = 	snop  }
0x7: {  	_ = 	snop  }
__scs_overlays_trampoline_lowered:
0x8: {  	[smem:$0x3FAF] =	sst s0  }
0x9: {  	[smem:$0x3FB0] =	sst s1  }
0xa: {  	[smem:$0x3FB1] =	sst s2  }
0xb: {  	[smem:$0x3FB2] =	sst s3  }
0xc: {  	[smem:$0x3FB3] =	sst s4  }
0xd: {  	[smem:$0x3FB4] =	sst s5  }
0xe: {  	[smem:$0x3FB5] =	sst s6  }
0xf: {  	[smem:$0x3FB6] =	sst s7  }
0x10: {  	[smem:$0x3FB7] =	sst s8  }
0x11: {  	[smem:$0x3FB8] =	sst s9;
	s0 =	simm.s32 @!p0 $0x0  }
0x12: {  	s1 =	sld [smem:$0x3F9E];
	s0 =	simm.s32 @p0 $0x1  }
0x13: {  	[smem:$0x3FB9] =	sst s0;
	s0 =	simm.s32 @!p1 $0x0  }
0x14: {  	s2 =	sld [smem:$0x3F9D];
	s0 =	simm.s32 @p1 $0x1  }
0x15: {  	[smem:$0x3FBA] =	sst s0;
	s0 =	simm.s32 @!p2 $0x0  }
0x16: {  	s3 =	sld [smem:$0x3FDB];
	s0 =	simm.s32 @p2 $0x1  }
0x17: {  	s4 =	simm.s32 $0x1BF5;
	[smem:$0x3FBC] =	sst s0  }
0x18: {  	s0 =	sld [smem:$0x3F9F];
	_ =	swait.ge [sflag:s4], $0x0  }
0x19: {  	s7 =	sld [smem:$0x3FA0]  }
0x1a: {  	s8 =	sadd.s32 $0xFFFFE003, lr  }
0x1b: {  	s9 =	sadd.s32 $0xFFFFFEF7, lr;
	s5 =	simm.s32 $0xFFFFFFFF;
	p2 =	slt.u32 s8, $0xFFFFF086  }
0x1c: {  	p1 =	slt.u32 s9, $0xF7A;
	s5 =	simm.s32 @!p2 $0x0  }
0x1d: {  	s5 =	simm.s32 @p1 $0x1;
	p0 =	seq.s32 s7, s2  }
0x1e: {  	s7 =	smul.u32 @!p0 $0xF7A, s2;
	p2 =	seq.s32 @!p0 s5, $0x0  }
0x1f: {  	s9 =	smul.u32 $0xF7A, s1;
	s8 =	simm.s32 @!p0 $0x1BF5;
	p2 =	por !p2, p0  }
0x20: {  	[sflag:s8] =	ssyncset.s32 @!p0 $0xFFFFF086;
	s6 =	sadd.s32 @!p0 s3, s7;
	s7 =	simm.s32 @!p0 $0x108  }
0x21: {  	s3 =	sadd.s32 s3, s9;
	s6 =	sadd.s32 @!p0 $0x88, s6;
	s7 =	simm.s32 @p2 $0x1082  }
0x22: {  	[simem:s7], [sflag:s8] =	dma.local @!p0 [hbm:s6], $0xF7A  }
0x23: {  	s9 =	sor.u32 $0xD0000000, s2;
	s6 =	simm.s32 $0x108;
	_ =	swait.ge @!p0 [sflag:s8], $0x0  }
0x24: {  	s3 =	sadd.s32 $0x88, s3;
	s6 =	simm.s32 @!p1 $0x1082;
	[sflag:s4] =	ssyncset.s32 $0xFFFFF086  }
0x25: {  	[simem:s6], [sflag:s4] =	dma.local [hbm:s3], $0xF7A  }
0x26: {  	[smem:$0x3FA0] =	sst s1;
	(tag) =	ssettag s2;
	_ =	strace s9  }
0x27: {  	s1 =	sld [smem:$0x3FB0]  }
0x28: {  	s2 =	sld [smem:$0x3FB1]  }
0x29: {  	s4 =	sld [smem:$0x3FB3]  }
0x2a: {  	p0 =	seq.s32 s5, $0x0;
	s5 =	sld [smem:$0x3FB4]  }
0x2b: {  	s6 =	sld [smem:$0x3FB5]  }
0x2c: {  	s7 =	sld [smem:$0x3FB6]  }
0x2d: {  	s3 =	simm.s32 $0x108;
	s8 =	sld [smem:$0x3FB7]  }
0x2e: {  	s3 =	simm.s32 @!p0 $0x1082;
	s9 =	sld [smem:$0x3FB8]  }
0x2f: {  	lr =	sadd.s32 s0, s3;
	s0 =	sld [smem:$0x3FAF]  }
0x30: {  	s3 =	sld [smem:$0x3FB2]  }
0x31: {  	[smem:$0x3FBB] =	sst s10  }
0x32: {  	s10 =	sld [smem:$0x3FB9];
	_ =	sdelay $0x3  }
0x33: {  	p0 =	seq.s32 s10, $0x1;
	s10 =	sld [smem:$0x3FBB];
	_ =	sdelay $0x3  }
0x34: {  	[smem:$0x3FBB] =	sst s10  }
0x35: {  	s10 =	sld [smem:$0x3FBA];
	_ =	sdelay $0x3  }
0x36: {  	p1 =	seq.s32 s10, $0x1;
	s10 =	sld [smem:$0x3FBB];
	_ =	sdelay $0x3  }
0x37: {  	[smem:$0x3FBB] =	sst s10  }
0x38: {  	s10 =	sld [smem:$0x3FBC]  }
0x39: {  	_ = 	snop;
	(pc) =	sbr.ind lr, $3  }
0x3a: {  	_ = 	snop  }
0x3b: {  	_ = 	snop  }
0x3c: {  	p2 =	seq.s32 s10, $0x1;
	s10 =	sld [smem:$0x3FBB]  }
0x3d: {  	_ =	shalt  }
0x3e: {  	_ =	shalt  }
0x3f: {  	_ =	shalt  }
0x40: {  	_ =	shalt  }
0x41: {  	_ =	shalt  }
0x42: {  	_ =	shalt  }
0x43: {  	_ =	shalt  }
0x44: {  	_ =	shalt  }
0x45: {  	_ =	shalt  }
0x46: {  	_ =	shalt  }
0x47: {  	_ =	shalt  }
0x48: {  	_ =	shalt  }
0x49: {  	_ =	shalt  }
0x4a: {  	_ =	shalt  }
0x4b: {  	_ =	shalt  }
0x4c: {  	_ =	shalt  }
0x4d: {  	_ =	shalt  }
0x4e: {  	_ =	shalt  }
0x4f: {  	_ =	shalt  }
0x50: {  	_ =	shalt  }
0x51: {  	_ =	shalt  }
0x52: {  	_ =	shalt  }
0x53: {  	_ =	shalt  }
0x54: {  	_ =	shalt  }
0x55: {  	_ =	shalt  }
0x56: {  	_ =	shalt  }
0x57: {  	_ =	shalt  }
0x58: {  	_ =	shalt  }
0x59: {  	_ =	shalt  }
0x5a: {  	_ =	shalt  }
0x5b: {  	_ =	shalt  }
0x5c: {  	_ =	shalt  }
0x5d: {  	_ =	shalt  }
0x5e: {  	_ =	shalt  }
0x5f: {  	_ =	shalt  }
0x60: {  	_ =	shalt  }
0x61: {  	_ =	shalt  }
0x62: {  	_ =	shalt  }
0x63: {  	_ =	shalt  }
0x64: {  	_ =	shalt  }
0x65: {  	_ =	shalt  }
0x66: {  	_ =	shalt  }
0x67: {  	_ =	shalt  }
0x68: {  	_ =	shalt  }
0x69: {  	_ =	shalt  }
0x6a: {  	_ =	shalt  }
0x6b: {  	_ =	shalt  }
0x6c: {  	_ =	shalt  }
0x6d: {  	_ =	shalt  }
0x6e: {  	_ =	shalt  }
0x6f: {  	_ =	shalt  }
0x70: {  	_ =	shalt  }
0x71: {  	_ =	shalt  }
0x72: {  	_ =	shalt  }
0x73: {  	_ =	shalt  }
0x74: {  	_ =	shalt  }
0x75: {  	_ =	shalt  }
0x76: {  	_ =	shalt  }
0x77: {  	_ =	shalt  }
0x78: {  	_ =	shalt  }
0x79: {  	_ =	shalt  }
0x7a: {  	_ =	shalt  }
0x7b: {  	_ =	shalt  }
0x7c: {  	_ =	shalt  }
0x7d: {  	_ =	shalt  }
0x7e: {  	_ =	shalt  }
0x7f: {  	_ =	shalt  }
0x80: {  	_ =	shalt  }
0x81: {  	_ =	shalt  }
0x82: {  	_ =	shalt  }
0x83: {  	_ =	shalt  }
0x84: {  	_ =	shalt  }
0x85: {  	_ =	shalt  }
0x86: {  	_ =	shalt  }
0x87: {  	_ =	shalt  }
.Lfunc_end0:
.L_simem_size_0:
called_computation_lowered:
.L_overlay_start_0:
0x88: {  	s2 =	sld [smem:$0x3FD9]  }
0x89: {  	s3 =	sld [smem:$0x3FFE];
	_ =	sdelay $0x1  }
0x8a: {  	s1 =	srdreg.scid  }
0x8b: {  	s0 =	sand.u32 $0x1, s1  }
0x8c: {  	s17 =	sshll.u32 s0, $0xA;
	s2 =	sadd.s32 s3, s2  }
0x8d: {  	s2 =	sadd.s32 s2, s17  }
0x8e: {  	[smem:$0x3FC7] =	sst s2  }
0x8f: {  	_ = 	snop  }
0x90: {  	s2 =	sld [smem:$0x3FC9]  }
0x91: {  	s18 =	sld [smem:$0x3FD0];
	(tm) =	ssettm $0x1  }
0x92: {  	s4 =	sld [smem:$0x3FFB];
	_ =	sdelay $0x3  }
0x93: {  	_ =	strace s4  }
0x94: {  	s4 =	sld [smem:$0x3FFC];
	_ =	sdelay $0x3  }
0x95: {  	_ =	strace s4  }
0x96: {  	s4 =	sld [smem:$0x3FFD];
	_ =	sdelay $0x3  }
0x97: {  	_ =	strace s4  }
0x98: {  	_ =	strace $0x8FFFFFFF  }
0x99: {  	s19 =	sld [smem:$0x3FDB];
	_ =	sdelay $0x1  }
0x9a: {  	s5 =	simm.s32 $_scs_section_size  }
0x9b: {  	s6 =	simm.s32 $_size__tile_overlayer_lowered;
	s7 =	simm.s32 $_tile_overlayer_lowered  }
0x9c: {  	s22 =	simm.s32 $0x1BFF;
	s21 =	sshll.u32 s7, $0x1;
	s4 =	sadd.s32 s5, s19  }
0x9d: {  	s8 =	simm.s32 $0x0;
	s20 =	sshll.u32 s6, $0x1;
	s6 =	sadd.s32 s21, s4  }
0x9e: {  	[timem:s8], [sflag:s22] =	dma.local [hbm:s6], s20  }
0x9f: {  	_ =	swait.ge [sflag:s22], s20  }
0xa0: {  	s5 =	ssub.s32 $0x0, s20;
	[sflag:s22] =	ssyncset.done $0x0  }
0xa1: {  	[sflag:s22] =	ssyncadd.s32 s5;
	_ =	sdelay $0x1  }
0xa2: {  	s23 =	simm.s32 $0x1B8B  }
0xa3: {  	_ =	swait.ge [sflag:s23], $0x1  }
0xa4: {  	[sflag:s23] =	ssyncset.done $0x0  }
0xa5: {  	s25 =	simm.s32 $0x1B8E;
	s24 =	sld [smem:$0x3FFE];
	[sflag:s23] =	ssyncadd.s32 $0xFFFFFFFF  }
0xa6: {  	s26 =	simm.s32 $execute0_lowered;
	[smem:$0x3FD2] =	sst s25  }
0xa7: {  	s6 =	sshll.u32 s26, $0x1;
	_ =	strace $0x80000046;
	[dreg:$0x1] =	wrdreg $0xFFFFFFFF  }
0xa8: {  	s28 =	simm.s32 $_size_execute0_lowered;
	s4 =	sadd.s32 s4, s6;
	[dreg:$0x0] =	wrdreg $0x0  }
0xa9: {  	s6 =	sshll.u32 s28, $0x1;
	[dreg:$0x2] =	wrdreg s4  }
0xaa: {  	[dreg:$0x3] =	wrdreg s6  }
0xab: {  	[dreg:$0x4] =	wrdreg $0xC0  }
0xac: {  	_ =	task [dreg:s8], $0x5FFFF  }
0xad: {  	[dreg:$0x1] =	wrdreg $0xFFFFFFFF  }
0xae: {  	[dreg:$0x0] =	wrdreg $0x60  }
0xaf: {  	[dreg:$0x2] =	wrdreg s2  }
0xb0: {  	[dreg:$0x3] =	wrdreg s24  }
0xb1: {  	[dreg:$0x4] =	wrdreg s18  }
0xb2: {  	[dreg:$0x5] =	wrdreg $0x9  }
0xb3: {  	_ =	task.clear_ibuf [dreg:s8], $0x6FFFF;
	_ =	strace $0x90000046  }
0xb4: {  	s29 =	simm.s32 $0x9;
	_ =	strace $0x80000048  }
0xb5: {  	_ =	swait.ge [sflag:s29], $0x1  }
0xb6: {  	[sflag:s29] =	ssyncadd.s32 $0xFFFFFFFF  }
0xb7: {  	_ =	strace $0x90000048  }
0xb8: {  	_ =	sfence  }
0xb9: {  	s30 =	sld [smem:$0x0];
	_ =	sdelay $0x2  }
0xba: {  	s31 =	sshll.u32 s1, $0xD;
	s1 =	sshrl.u32 s1, $0x2  }
0xbb: {  	s3 =	sand.u32 $0x4000, s31;
	s1 =	sadd.s32 s1, s30  }
0xbc: {  	s0 =	sor.u32 s3, s0;
	s1 =	sshll.u32 s1, $0x11  }
0xbd: {  	s0 =	sor.u32 s1, s0  }
0xbe: {  	s0 =	sadd.s32 $0x8F2B, s0  }
0xbf: {  	[sflag:s0] =	ssyncadd.remote.s32 $0x1  }
0xc0: {  	_ =	sfence.sel $0xFFFF  }
0xc1: {  	[dreg:$0x0] =	wrdreg $0xFFFFFFFF;
	(pc) =	sbr.abs _section_cstart, $3  }
0xc2: {  	[dreg:$0x1] =	wrdreg $0xFFFFFFFF  }
0xc3: {  	_ =	task.clear_ibuf [dreg:s8], $0x2FFFF;
	_ =	strace $0x9FFFFFFF  }
0xc4: {  	(tm) =	ssettm $0x7FFFFFFF  }
0xc5: {  	_ =	shalt  }
tec
execute0_lowered:
.L_overlay_start_1:
0x0: {  	(tag) =	ssettag $0x1  }
0x1: {  	s5 =	rddreg [dreg:$0x0]  }
0x2: {  	s4 =	rddreg [dreg:$0x1]  }
0x3: {  	s8 =	rddreg [dreg:$0x2]  }
0x4: {  	s0 =	rddreg [dreg:$0x3];
	s1 =	simm.s32 $0x0;
	s6 =	srdreg.scid  }
0x5: {  	s2 =	stileid.u32;
	s12 =	simm.s32 $0x400;
	s13 =	simm.s32 $0x8000  }
0x6: {  	s15 =	simm.s32 $0x1800;
	s17 =	simm.s32 $0x9D00;
	s18 =	simm.s32 $0x1  }
0x7: {  	s19 =	simm.s32 $0x2;
	s20 =	simm.s32 $0x0;
	[smem:$0x7FF] =	sst s1  }
0x8: {  	s3 =	sadd.s32 $0x400, s4;
	s6 =	sand.u32 $0x1, s6;
	s4 =	sadd.s32 $0x600, s4  }
0x9: {  	s9 =	sshll.u32 s2, $0x1;
	s29 =	sshll.u32 s2, $0x10;
	_ =	strace $0x80000047  }
0xa: {  	s7 =	ssub.s32 $0x2, s6;
	s16 =	sor.u32 s6, s9;
	s6 =	sshll.u32 s6, $0xF  }
0xb: {  	s10 =	sshrl.u32 s7, $0x1;
	s11 =	sshll.u32 s16, $0x7;
	s9 =	sor.u32 s6, s29  }
.Ltmp0:
0xc: {  	p0 =	sne.s32 s16, $0x0;
	s16 =	simm.s32 $0x1D00;
	(pc) =	sbr.rel .LBB2_1-.Ltmp0, $4  }
0xd: {  	s30 =	ssub.s32 s7, s10;
	s5 =	sadd.s32 s5, s11;
	s31 =	sor.u32 $0x100000, s9  }
0xe: {  	s9 =	sshrl.u32 s9, $0x3;
	s10 =	simm.s32 $0x3;
	s11 =	simm.s32 $0x1C80  }
0xf: {  	s6 =	smax.u32 s30, $0x1;
	s7 =	sshrl.u32 s31, $0x3;
	s14 =	sadd.s32 $0x6000, s5  }
0x10: {  	v0 =	vimm.s32 $0x0;
	v1 =	vimm.s32 $0x1;
	s7 =	sadd.s32 s7, s8;
	s8 =	sadd.s32 s9, s8;
	s9 =	simm.s32 $0x1C00  }
.LBB2_9:
0x11: {  	s20 =	sadd.s32 $0x1, s20  }
0x12: {  	_ =	swait.ge [sflag:s18], $0x8000;
	p1 =	sne.s32 s20, s6  }
.Ltmp1:
0x13: {  	[sflag:s18] =	ssyncset.done $0x0;
	(pc) =	sbr.rel @!p1 .LBB2_10-.Ltmp1, $4  }
0x14: {  	[sflag:s18] =	ssyncadd.s32 $0xFFFF8000  }
0x15: {  	_ =	swait.ge [sflag:s19], $0x8000  }
0x16: {  	[sflag:s19] =	ssyncset.done $0x0  }
0x17: {  	[sflag:s19] =	ssyncadd.s32 $0xFFFF8000  }
.LBB2_1:
0x18: {  	[tilespmem:s9], [sflag:$0x3] =	stream.linear.gather [hbm4b:s3+s1], $0x80, $0x38;
	[tilespmem:$0x11D00] =	vst v63  }
0x19: {  	_ =	swait.ge [sflag:s10], $0x80  }
0x1a: {  	[sflag:s10] =	ssyncset.done $0x0  }
0x1b: {  	[sflag:s10] =	ssyncadd.s32 $0xFFFFFF80  }
0x1c: {  	[tilespmem:s11], [sflag:$0x3] =	stream.linear.gather [hbm4b:s4+s1], $0x80, $0x38;
	[tilespmem:$0x11D00] =	vst v63  }
0x1d: {  	_ =	swait.ge [sflag:s10], $0x80  }
0x1e: {  	[sflag:s10] =	ssyncset.done $0x0  }
0x1f: {  	[sflag:s10] =	ssyncadd.s32 $0xFFFFFF80  }
0x20: {  	[tilespmem:s1], [sflag:$0x3] =	stream.strided.gather [hbm4b:s5+s12], $0x1800, s13, s12, $0x38;
	[tilespmem:$0x11D00] =	vst v63  }
0x21: {  	_ = 	snop  }
0x22: {  	[tilespmem:s15], [sflag:$0x3] =	stream.linear.gather [hbm4b:s14+s1], $0x100, $0x38;
	[tilespmem:$0x11D00] =	vst v63  }
0x23: {  	_ =	swait.ge [sflag:s10], $0x1900  }
0x24: {  	s21 =	sand.u32 $0x7800, s1;
	s22 =	sand.u32 $0x380, s1;
	[sflag:s10] =	ssyncset.done $0x0  }
0x25: {  	s21 =	sor.u32 s22, s21;
	[sflag:s10] =	ssyncadd.s32 $0xFFFFE700  }
0x26: {  	[tilespmem:s21+$0xA170] =	vst v0  }
0x27: {  	[tilespmem:s21+$0x1D00] =	vst v0  }
0x28: {  	[tilespmem:s21+$0x9D00] =	vst v0  }
0x29: {  	[tilespmem:s21+$0x1D10] =	vst v0  }
0x2a: {  	[tilespmem:s21+$0x9D10] =	vst v0  }
0x2b: {  	[tilespmem:s21+$0x1D20] =	vst v0  }
0x2c: {  	[tilespmem:s21+$0x9D20] =	vst v0  }
0x2d: {  	[tilespmem:s21+$0x1D30] =	vst v0  }
0x2e: {  	[tilespmem:s21+$0x9D30] =	vst v0  }
0x2f: {  	[tilespmem:s21+$0x1D40] =	vst v0  }
0x30: {  	[tilespmem:s21+$0x9D40] =	vst v0  }
0x31: {  	[tilespmem:s21+$0x1D50] =	vst v0  }
0x32: {  	[tilespmem:s21+$0x9D50] =	vst v0  }
0x33: {  	[tilespmem:s21+$0x1D60] =	vst v0  }
0x34: {  	[tilespmem:s21+$0x9D60] =	vst v0  }
0x35: {  	[tilespmem:s21+$0x1D70] =	vst v0  }
0x36: {  	[tilespmem:s21+$0x9D70] =	vst v0  }
0x37: {  	[tilespmem:s21+$0x2100] =	vst v0  }
0x38: {  	[tilespmem:s21+$0xA100] =	vst v0  }
0x39: {  	[tilespmem:s21+$0x2110] =	vst v0  }
0x3a: {  	[tilespmem:s21+$0xA110] =	vst v0  }
0x3b: {  	[tilespmem:s21+$0x2120] =	vst v0  }
0x3c: {  	[tilespmem:s21+$0xA120] =	vst v0  }
0x3d: {  	[tilespmem:s21+$0x2130] =	vst v0  }
0x3e: {  	[tilespmem:s21+$0xA130] =	vst v0  }
0x3f: {  	[tilespmem:s21+$0x2140] =	vst v0  }
0x40: {  	[tilespmem:s21+$0xA140] =	vst v0  }
0x41: {  	[tilespmem:s21+$0x2150] =	vst v0  }
0x42: {  	[tilespmem:s21+$0xA150] =	vst v0  }
0x43: {  	s23 =	simm.s32 $0x100;
	s22 =	simm.s32 $0x80;
	[tilespmem:s21+$0x2160] =	vst v0  }
0x44: {  	s24 =	sand.u32 $0x7800, s23;
	s23 =	simm.s32 $0x200;
	s25 =	sand.u32 $0x380, s22;
	[tilespmem:s21+$0xA160] =	vst v0  }
.LBB2_2:
0x45: {  	p1 =	sne.s32 s23, $0x7F00;
	[tilespmem:s21+$0x2170] =	vst v0;
	s21 =	sor.u32 s25, s24  }
0x46: {  	[tilespmem:s21+$0xA170] =	vst v0  }
0x47: {  	[tilespmem:s21+$0x1D00] =	vst v0  }
0x48: {  	[tilespmem:s21+$0x9D00] =	vst v0  }
0x49: {  	[tilespmem:s21+$0x1D10] =	vst v0  }
0x4a: {  	[tilespmem:s21+$0x9D10] =	vst v0  }
0x4b: {  	[tilespmem:s21+$0x1D20] =	vst v0  }
0x4c: {  	[tilespmem:s21+$0x9D20] =	vst v0  }
0x4d: {  	[tilespmem:s21+$0x1D30] =	vst v0  }
0x4e: {  	[tilespmem:s21+$0x9D30] =	vst v0  }
0x4f: {  	[tilespmem:s21+$0x1D40] =	vst v0  }
0x50: {  	[tilespmem:s21+$0x9D40] =	vst v0  }
0x51: {  	[tilespmem:s21+$0x1D50] =	vst v0  }
0x52: {  	[tilespmem:s21+$0x9D50] =	vst v0  }
0x53: {  	[tilespmem:s21+$0x1D60] =	vst v0  }
0x54: {  	[tilespmem:s21+$0x9D60] =	vst v0  }
0x55: {  	[tilespmem:s21+$0x1D70] =	vst v0  }
0x56: {  	[tilespmem:s21+$0x9D70] =	vst v0  }
0x57: {  	[tilespmem:s21+$0x2100] =	vst v0  }
0x58: {  	[tilespmem:s21+$0xA100] =	vst v0  }
0x59: {  	[tilespmem:s21+$0x2110] =	vst v0  }
0x5a: {  	[tilespmem:s21+$0xA110] =	vst v0  }
0x5b: {  	[tilespmem:s21+$0x2120] =	vst v0  }
0x5c: {  	[tilespmem:s21+$0xA120] =	vst v0  }
0x5d: {  	[tilespmem:s21+$0x2130] =	vst v0  }
0x5e: {  	[tilespmem:s21+$0xA130] =	vst v0  }
0x5f: {  	[tilespmem:s21+$0x2140] =	vst v0  }
.Ltmp2:
0x60: {  	[tilespmem:s21+$0xA140] =	vst v0;
	(pc) =	sbr.rel @p1 .LBB2_2-.Ltmp2, $4  }
0x61: {  	[tilespmem:s21+$0x2150] =	vst v0  }
0x62: {  	[tilespmem:s21+$0xA150] =	vst v0  }
0x63: {  	s22 =	sadd.s32 $0x80, s22;
	[tilespmem:s21+$0x2160] =	vst v0  }
0x64: {  	s24 =	sand.u32 $0x7800, s23;
	s23 =	sadd.s32 $0x100, s23;
	s25 =	sand.u32 $0x380, s22;
	[tilespmem:s21+$0xA160] =	vst v0  }
0x65: {  	s22 =	sor.u32 s25, s24;
	[tilespmem:s21+$0x2170] =	vst v0  }
0x66: {  	[tilespmem:s22+$0xA170] =	vst v0  }
0x67: {  	[tilespmem:s22+$0x1D00] =	vst v0  }
0x68: {  	[tilespmem:s22+$0x9D00] =	vst v0  }
0x69: {  	[tilespmem:s22+$0x1D10] =	vst v0  }
0x6a: {  	[tilespmem:s22+$0x9D10] =	vst v0  }
0x6b: {  	[tilespmem:s22+$0x1D20] =	vst v0  }
0x6c: {  	[tilespmem:s22+$0x9D20] =	vst v0  }
0x6d: {  	[tilespmem:s22+$0x1D30] =	vst v0  }
0x6e: {  	[tilespmem:s22+$0x9D30] =	vst v0  }
0x6f: {  	[tilespmem:s22+$0x1D40] =	vst v0  }
0x70: {  	[tilespmem:s22+$0x9D40] =	vst v0  }
0x71: {  	[tilespmem:s22+$0x1D50] =	vst v0  }
0x72: {  	[tilespmem:s22+$0x9D50] =	vst v0  }
0x73: {  	[tilespmem:s22+$0x1D60] =	vst v0  }
0x74: {  	[tilespmem:s22+$0x9D60] =	vst v0  }
0x75: {  	[tilespmem:s22+$0x1D70] =	vst v0  }
0x76: {  	[tilespmem:s22+$0x9D70] =	vst v0  }
0x77: {  	[tilespmem:s22+$0x2100] =	vst v0  }
0x78: {  	[tilespmem:s22+$0xA100] =	vst v0  }
0x79: {  	[tilespmem:s22+$0x2110] =	vst v0  }
0x7a: {  	[tilespmem:s22+$0xA110] =	vst v0  }
0x7b: {  	[tilespmem:s22+$0x2120] =	vst v0  }
0x7c: {  	[tilespmem:s22+$0xA120] =	vst v0  }
0x7d: {  	[tilespmem:s22+$0x2130] =	vst v0  }
0x7e: {  	[tilespmem:s22+$0xA130] =	vst v0  }
0x7f: {  	[tilespmem:s22+$0x2140] =	vst v0  }
0x80: {  	[tilespmem:s22+$0xA140] =	vst v0  }
.Ltmp3:
0x81: {  	[tilespmem:s22+$0x2150] =	vst v0;
	(pc) =	sbr.rel .LBB2_4-.Ltmp3, $4  }
0x82: {  	[tilespmem:s22+$0xA150] =	vst v0  }
0x83: {  	[tilespmem:s22+$0x2160] =	vst v0  }
0x84: {  	s21 =	simm.s32 $0x1;
	[tilespmem:s22+$0xA160] =	vst v0  }
0x85: {  	s23 =	smov.u32 s8;
	s24 =	smov.u32 s7;
	[tilespmem:s22+$0x2170] =	vst v0;
	s22 =	simm.s32 $0x0  }
.LBB2_8:
0x86: {  	v4 =	vld @p0 [tilespmem:$0x1C00]  }
0x87: {  	v5 =	vld @p0 [tilespmem:s22+$0x80];
	_ =	sdelay $0x4  }
0x88: {  	v6 =	vshll.u32 @p0 v4, $0x8;
	v7 =	vshll.u32 @p0 v5, $0x3  }
0x89: {  	v4 =	vshll.u32 @p0 v4, $0x7;
	v6 =	vand.u32 @p0 $0xFFFFF800, v6;
	v7 =	vand.u32 @p0 $0xFFFFFC00, v7  }
0x8a: {  	v4 =	vand.u32 @p0 $0x380, v4;
	v6 =	vadd.s32 @p0 v6, v7  }
0x8b: {  	v5 =	vand.u32 @p0 $0x7F, v5;
	v4 =	vor.u32 @p0 v4, v6  }
0x8c: {  	v4 =	vor.u32 @p0 v5, v4;
	_ =	sdelay $0x3  }
0x8d: {  	s26 =	simm.s32 @p0 $0x9D00  }
0x8e: {  	[tilespmem:v4+s26+$0x0] =	vst.idx.msk @p0 $0xffff, v2  }
0x8f: {  	v2 =	vld @!p0 [tilespmem:$0x1C80];
	_ =	sdelay $0x4  }
0x90: {  	s26 =	sshll.u32 @!p0 s21, $0x7;
	v4 =	vand.u32 @!p0 $0xFFFFFF80, v2  }
0x91: {  	v5 =	vand.u32 @!p0 $0x7F, v2;
	v4 =	vadd.s32 @!p0 s26, v4  }
0x92: {  	v4 =	vor.u32 @!p0 v5, v4;
	_ =	sdelay $0x4  }
0x93: {  	v4 =	vld.idx.msk @!p0 [tilespmem:v4+s25+$0x0], $0xffff;
	_ =	sdelay $0x4  }
0x94: {  	v5 =	vshll.u32 @!p0 v2, $0x8;
	v6 =	vshll.u32 @!p0 v4, $0x3  }
0x95: {  	v2 =	vshll.u32 @!p0 v2, $0x7;
	v5 =	vand.u32 @!p0 $0xFFFFF800, v5;
	v6 =	vand.u32 @!p0 $0xFFFFFC00, v6  }
0x96: {  	v2 =	vand.u32 @!p0 $0x380, v2;
	v5 =	vadd.s32 @!p0 v5, v6  }
0x97: {  	v4 =	vand.u32 @!p0 $0x7F, v4;
	v2 =	vor.u32 @!p0 v2, v5  }
0x98: {  	v2 =	vor.u32 @!p0 v4, v2;
	_ =	sdelay $0x3  }
0x99: {  	s25 =	simm.s32 @!p0 $0x9D00  }
0x9a: {  	[tilespmem:v2+s25+$0x0] =	vst.idx.msk @!p0 $0xffff, v3  }
0x9b: {  	v2 =	vld [tilespmem:$0x1C10]  }
0x9c: {  	v3 =	vld [tilespmem:s22+$0x90];
	_ =	sdelay $0x4  }
0x9d: {  	v50 =	vshll.u32 v2, $0x8;
	v51 =	vshll.u32 v3, $0x3  }
0x9e: {  	v2 =	vshll.u32 v2, $0x7;
	v4 =	vand.u32 $0xFFFFF800, v50;
	v5 =	vand.u32 $0xFFFFFC00, v51  }
0x9f: {  	v2 =	vand.u32 $0x380, v2;
	v4 =	vadd.s32 v4, v5  }
0xa0: {  	v3 =	vand.u32 $0x7F, v3;
	v2 =	vor.u32 v2, v4  }
0xa1: {  	v2 =	vor.u32 v3, v2;
	_ =	sdelay $0x4  }
0xa2: {  	[tilespmem:v2+s17+$0x0] =	vst.idx.msk $0xffff, v1  }
0xa3: {  	v2 =	vld [tilespmem:$0x1C20]  }
0xa4: {  	v3 =	vld [tilespmem:s22+$0xA0];
	_ =	sdelay $0x4  }
0xa5: {  	v52 =	vshll.u32 v2, $0x8;
	v53 =	vshll.u32 v3, $0x3  }
0xa6: {  	v2 =	vshll.u32 v2, $0x7;
	v4 =	vand.u32 $0xFFFFF800, v52;
	v5 =	vand.u32 $0xFFFFFC00, v53  }
0xa7: {  	v2 =	vand.u32 $0x380, v2;
	v4 =	vadd.s32 v4, v5  }
0xa8: {  	v3 =	vand.u32 $0x7F, v3;
	v2 =	vor.u32 v2, v4  }
0xa9: {  	v2 =	vor.u32 v3, v2;
	_ =	sdelay $0x4  }
0xaa: {  	[tilespmem:v2+s17+$0x0] =	vst.idx.msk $0xffff, v1  }
0xab: {  	v2 =	vld [tilespmem:$0x1C30]  }
0xac: {  	v3 =	vld [tilespmem:s22+$0xB0];
	_ =	sdelay $0x4  }
0xad: {  	v54 =	vshll.u32 v2, $0x8;
	v55 =	vshll.u32 v3, $0x3  }
0xae: {  	v2 =	vshll.u32 v2, $0x7;
	v4 =	vand.u32 $0xFFFFF800, v54;
	v5 =	vand.u32 $0xFFFFFC00, v55  }
0xaf: {  	v2 =	vand.u32 $0x380, v2;
	v4 =	vadd.s32 v4, v5  }
0xb0: {  	v3 =	vand.u32 $0x7F, v3;
	v2 =	vor.u32 v2, v4  }
0xb1: {  	v2 =	vor.u32 v3, v2;
	_ =	sdelay $0x4  }
0xb2: {  	[tilespmem:v2+s17+$0x0] =	vst.idx.msk $0xffff, v1  }
0xb3: {  	v2 =	vld [tilespmem:$0x1C40]  }
0xb4: {  	v3 =	vld [tilespmem:s22+$0xC0];
	_ =	sdelay $0x4  }
0xb5: {  	v56 =	vshll.u32 v2, $0x8;
	v57 =	vshll.u32 v3, $0x3  }
0xb6: {  	v2 =	vshll.u32 v2, $0x7;
	v4 =	vand.u32 $0xFFFFF800, v56;
	v5 =	vand.u32 $0xFFFFFC00, v57  }
0xb7: {  	v2 =	vand.u32 $0x380, v2;
	v4 =	vadd.s32 v4, v5  }
0xb8: {  	v3 =	vand.u32 $0x7F, v3;
	v2 =	vor.u32 v2, v4  }
0xb9: {  	v2 =	vor.u32 v3, v2;
	_ =	sdelay $0x4  }
0xba: {  	[tilespmem:v2+s17+$0x0] =	vst.idx.msk $0xffff, v1  }
0xbb: {  	v2 =	vld [tilespmem:$0x1C50]  }
0xbc: {  	v3 =	vld [tilespmem:s22+$0xD0];
	_ =	sdelay $0x4  }
0xbd: {  	v58 =	vshll.u32 v2, $0x8;
	v59 =	vshll.u32 v3, $0x3  }
0xbe: {  	v2 =	vshll.u32 v2, $0x7;
	v4 =	vand.u32 $0xFFFFF800, v58;
	v5 =	vand.u32 $0xFFFFFC00, v59  }
0xbf: {  	v2 =	vand.u32 $0x380, v2;
	v4 =	vadd.s32 v4, v5  }
0xc0: {  	v3 =	vand.u32 $0x7F, v3;
	v2 =	vor.u32 v2, v4  }
0xc1: {  	v2 =	vor.u32 v3, v2;
	_ =	sdelay $0x4  }
0xc2: {  	[tilespmem:v2+s17+$0x0] =	vst.idx.msk $0xffff, v1  }
0xc3: {  	v2 =	vld [tilespmem:$0x1C60]  }
0xc4: {  	v3 =	vld [tilespmem:s22+$0xE0];
	_ =	sdelay $0x4  }
0xc5: {  	v60 =	vshll.u32 v2, $0x8;
	v61 =	vshll.u32 v3, $0x3  }
0xc6: {  	v2 =	vshll.u32 v2, $0x7;
	v4 =	vand.u32 $0xFFFFF800, v60;
	v5 =	vand.u32 $0xFFFFFC00, v61  }
0xc7: {  	v2 =	vand.u32 $0x380, v2;
	v4 =	vadd.s32 v4, v5  }
0xc8: {  	v3 =	vand.u32 $0x7F, v3;
	v2 =	vor.u32 v2, v4  }
0xc9: {  	v2 =	vor.u32 v3, v2;
	_ =	sdelay $0x4  }
0xca: {  	[tilespmem:v2+s17+$0x0] =	vst.idx.msk $0xffff, v1  }
0xcb: {  	v2 =	vld [tilespmem:$0x1C70]  }
0xcc: {  	v3 =	vld [tilespmem:s22+$0xF0];
	_ =	sdelay $0x4  }
0xcd: {  	v62 =	vshll.u32 v2, $0x8;
	v63 =	vshll.u32 v3, $0x3  }
0xce: {  	v2 =	vshll.u32 v2, $0x7;
	v4 =	vand.u32 $0xFFFFF800, v62;
	v5 =	vand.u32 $0xFFFFFC00, v63  }
0xcf: {  	v2 =	vand.u32 $0x380, v2;
	v4 =	vadd.s32 v4, v5  }
0xd0: {  	v3 =	vand.u32 $0x7F, v3;
	v2 =	vor.u32 v2, v4  }
0xd1: {  	v2 =	vor.u32 v3, v2  }
0xd2: {  	s21 =	sadd.s32 $0x2, s21  }
0xd3: {  	p1 =	sne.s32 s21, $0x33  }
.Ltmp4:
0xd4: {  	_ = 	snop;
	(pc) =	sbr.rel @!p1 .LBB2_9-.Ltmp4, $4  }
0xd5: {  	_ = 	snop  }
0xd6: {  	[tilespmem:v2+s17+$0x0] =	vst.idx.msk $0xffff, v1  }
0xd7: {  	[hbm4b:s24+s1] =	stream.linear.scatter [tilespmem:s17], [sflag:$0x2], $0x8000, $0x38;
	[tilespmem:$0x11D00] =	vst v63  }
0xd8: {  	s23 =	sadd.s32 $0x40000, s23;
	s22 =	sadd.s32 $0x100, s22;
	s24 =	sadd.s32 $0x40000, s24  }
.LBB2_4:
0xd9: {  	p1 =	seq.s32 s21, $0x1  }
.Ltmp5:
0xda: {  	_ = 	snop;
	(pc) =	sbr.rel @p1 .LBB2_6-.Ltmp5, $1  }
0xdb: {  	_ =	sdelay $0x3  }
0xdc: {  	_ =	swait.ge [sflag:s18], $0x8000  }
0xdd: {  	[sflag:s18] =	ssyncset.done $0x0  }
0xde: {  	[sflag:s18] =	ssyncadd.s32 $0xFFFF8000  }
0xdf: {  	v2 =	vld [tilespmem:$0x1C00]  }
0xe0: {  	v3 =	vld [tilespmem:s22+$0xFFFFFF00];
	_ =	sdelay $0x4  }
0xe1: {  	v4 =	vshll.u32 v2, $0x8;
	v5 =	vshll.u32 v3, $0x3  }
0xe2: {  	v2 =	vshll.u32 v2, $0x7;
	v4 =	vand.u32 $0xFFFFF800, v4;
	v5 =	vand.u32 $0xFFFFFC00, v5  }
0xe3: {  	v2 =	vand.u32 $0x380, v2;
	v4 =	vadd.s32 v4, v5  }
0xe4: {  	v3 =	vand.u32 $0x7F, v3;
	v2 =	vor.u32 v2, v4  }
0xe5: {  	v2 =	vor.u32 v3, v2;
	_ =	sdelay $0x4  }
0xe6: {  	[tilespmem:v2+s16+$0x0] =	vst.idx.msk $0xffff, v0  }
0xe7: {  	v2 =	vld [tilespmem:$0x1C10]  }
0xe8: {  	v3 =	vld [tilespmem:s22+$0xFFFFFF10];
	_ =	sdelay $0x4  }
0xe9: {  	v50 =	vshll.u32 v2, $0x8;
	v51 =	vshll.u32 v3, $0x3  }
0xea: {  	v2 =	vshll.u32 v2, $0x7;
	v4 =	vand.u32 $0xFFFFF800, v50;
	v5 =	vand.u32 $0xFFFFFC00, v51  }
0xeb: {  	v2 =	vand.u32 $0x380, v2;
	v4 =	vadd.s32 v4, v5  }
0xec: {  	v3 =	vand.u32 $0x7F, v3;
	v2 =	vor.u32 v2, v4  }
0xed: {  	v2 =	vor.u32 v3, v2;
	_ =	sdelay $0x4  }
0xee: {  	[tilespmem:v2+s16+$0x0] =	vst.idx.msk $0xffff, v0  }
0xef: {  	v2 =	vld [tilespmem:$0x1C20]  }
0xf0: {  	v3 =	vld [tilespmem:s22+$0xFFFFFF20];
	_ =	sdelay $0x4  }
0xf1: {  	v52 =	vshll.u32 v2, $0x8;
	v53 =	vshll.u32 v3, $0x3  }
0xf2: {  	v2 =	vshll.u32 v2, $0x7;
	v4 =	vand.u32 $0xFFFFF800, v52;
	v5 =	vand.u32 $0xFFFFFC00, v53  }
0xf3: {  	v2 =	vand.u32 $0x380, v2;
	v4 =	vadd.s32 v4, v5  }
0xf4: {  	v3 =	vand.u32 $0x7F, v3;
	v2 =	vor.u32 v2, v4  }
0xf5: {  	v2 =	vor.u32 v3, v2;
	_ =	sdelay $0x4  }
0xf6: {  	[tilespmem:v2+s16+$0x0] =	vst.idx.msk $0xffff, v0  }
0xf7: {  	v2 =	vld [tilespmem:$0x1C30]  }
0xf8: {  	v3 =	vld [tilespmem:s22+$0xFFFFFF30];
	_ =	sdelay $0x4  }
0xf9: {  	v54 =	vshll.u32 v2, $0x8;
	v55 =	vshll.u32 v3, $0x3  }
0xfa: {  	v2 =	vshll.u32 v2, $0x7;
	v4 =	vand.u32 $0xFFFFF800, v54;
	v5 =	vand.u32 $0xFFFFFC00, v55  }
0xfb: {  	v2 =	vand.u32 $0x380, v2;
	v4 =	vadd.s32 v4, v5  }
0xfc: {  	v3 =	vand.u32 $0x7F, v3;
	v2 =	vor.u32 v2, v4  }
0xfd: {  	v2 =	vor.u32 v3, v2;
	_ =	sdelay $0x4  }
0xfe: {  	[tilespmem:v2+s16+$0x0] =	vst.idx.msk $0xffff, v0  }
0xff: {  	v2 =	vld [tilespmem:$0x1C40]  }
0x100: {  	v3 =	vld [tilespmem:s22+$0xFFFFFF40];
	_ =	sdelay $0x4  }
0x101: {  	v56 =	vshll.u32 v2, $0x8;
	v57 =	vshll.u32 v3, $0x3  }
0x102: {  	v2 =	vshll.u32 v2, $0x7;
	v4 =	vand.u32 $0xFFFFF800, v56;
	v5 =	vand.u32 $0xFFFFFC00, v57  }
0x103: {  	v2 =	vand.u32 $0x380, v2;
	v4 =	vadd.s32 v4, v5  }
0x104: {  	v3 =	vand.u32 $0x7F, v3;
	v2 =	vor.u32 v2, v4  }
0x105: {  	v2 =	vor.u32 v3, v2;
	_ =	sdelay $0x4  }
0x106: {  	[tilespmem:v2+s16+$0x0] =	vst.idx.msk $0xffff, v0  }
0x107: {  	v2 =	vld [tilespmem:$0x1C50]  }
0x108: {  	v3 =	vld [tilespmem:s22+$0xFFFFFF50];
	_ =	sdelay $0x4  }
0x109: {  	v58 =	vshll.u32 v2, $0x8;
	v59 =	vshll.u32 v3, $0x3  }
0x10a: {  	v2 =	vshll.u32 v2, $0x7;
	v4 =	vand.u32 $0xFFFFF800, v58;
	v5 =	vand.u32 $0xFFFFFC00, v59  }
0x10b: {  	v2 =	vand.u32 $0x380, v2;
	v4 =	vadd.s32 v4, v5  }
0x10c: {  	v3 =	vand.u32 $0x7F, v3;
	v2 =	vor.u32 v2, v4  }
0x10d: {  	v2 =	vor.u32 v3, v2;
	_ =	sdelay $0x4  }
0x10e: {  	[tilespmem:v2+s16+$0x0] =	vst.idx.msk $0xffff, v0  }
0x10f: {  	v2 =	vld [tilespmem:$0x1C60]  }
0x110: {  	v3 =	vld [tilespmem:s22+$0xFFFFFF60];
	_ =	sdelay $0x4  }
0x111: {  	v60 =	vshll.u32 v2, $0x8;
	v61 =	vshll.u32 v3, $0x3  }
0x112: {  	v2 =	vshll.u32 v2, $0x7;
	v4 =	vand.u32 $0xFFFFF800, v60;
	v5 =	vand.u32 $0xFFFFFC00, v61  }
0x113: {  	v2 =	vand.u32 $0x380, v2;
	v4 =	vadd.s32 v4, v5  }
0x114: {  	v3 =	vand.u32 $0x7F, v3;
	v2 =	vor.u32 v2, v4  }
0x115: {  	v2 =	vor.u32 v3, v2;
	_ =	sdelay $0x4  }
0x116: {  	[tilespmem:v2+s16+$0x0] =	vst.idx.msk $0xffff, v0  }
0x117: {  	v2 =	vld [tilespmem:$0x1C70]  }
0x118: {  	v3 =	vld [tilespmem:s22+$0xFFFFFF70];
	_ =	sdelay $0x4  }
0x119: {  	v62 =	vshll.u32 v2, $0x8;
	v63 =	vshll.u32 v3, $0x3  }
0x11a: {  	v2 =	vshll.u32 v2, $0x7;
	v4 =	vand.u32 $0xFFFFF800, v62;
	v5 =	vand.u32 $0xFFFFFC00, v63  }
0x11b: {  	v2 =	vand.u32 $0x380, v2;
	v4 =	vadd.s32 v4, v5  }
0x11c: {  	v3 =	vand.u32 $0x7F, v3;
	v2 =	vor.u32 v2, v4  }
0x11d: {  	v2 =	vor.u32 v3, v2;
	_ =	sdelay $0x4  }
0x11e: {  	[tilespmem:v2+s16+$0x0] =	vst.idx.msk $0xffff, v0  }
.LBB2_6:
0x11f: {  	v2 =	vld @p0 [tilespmem:$0x1C00]  }
0x120: {  	v3 =	vld @p0 [tilespmem:s22+$0x0];
	_ =	sdelay $0x4  }
0x121: {  	v4 =	vshll.u32 @p0 v2, $0x8;
	v5 =	vshll.u32 @p0 v3, $0x3  }
0x122: {  	v2 =	vshll.u32 @p0 v2, $0x7;
	v4 =	vand.u32 @p0 $0xFFFFF800, v4;
	v5 =	vand.u32 @p0 $0xFFFFFC00, v5  }
0x123: {  	v2 =	vand.u32 @p0 $0x380, v2;
	v4 =	vadd.s32 @p0 v4, v5  }
0x124: {  	v3 =	vand.u32 @p0 $0x7F, v3;
	v2 =	vor.u32 @p0 v2, v4  }
0x125: {  	v3 =	vor.u32 @p0 v3, v2;
	_ =	sdelay $0x3  }
0x126: {  	s25 =	simm.s32 @p0 $0x1D00;
	v2 =	vimm.s32 @p0 $0x1  }
0x127: {  	[tilespmem:v3+s25+$0x0] =	vst.idx.msk @p0 $0xffff, v2  }
0x128: {  	v3 =	vld @!p0 [tilespmem:$0x1C80];
	_ =	sdelay $0x3  }
0x129: {  	s25 =	sadd.s32 $0xFFFFFFFF, s21  }
0x12a: {  	s25 =	sshll.u32 @!p0 s25, $0x7;
	v4 =	vand.u32 @!p0 $0xFFFFFF80, v3  }
0x12b: {  	v5 =	vand.u32 @!p0 $0x7F, v3;
	v4 =	vadd.s32 @!p0 s25, v4  }
0x12c: {  	v4 =	vor.u32 @!p0 v5, v4;
	_ =	sdelay $0x3  }
0x12d: {  	s25 =	simm.s32 @!p0 $0x0  }
0x12e: {  	v4 =	vld.idx.msk @!p0 [tilespmem:v4+s25+$0x0], $0xffff;
	_ =	sdelay $0x4  }
0x12f: {  	v5 =	vshll.u32 @!p0 v3, $0x8;
	v6 =	vshll.u32 @!p0 v4, $0x3  }
0x130: {  	v3 =	vshll.u32 @!p0 v3, $0x7;
	v5 =	vand.u32 @!p0 $0xFFFFF800, v5;
	v6 =	vand.u32 @!p0 $0xFFFFFC00, v6  }
0x131: {  	v3 =	vand.u32 @!p0 $0x380, v3;
	v5 =	vadd.s32 @!p0 v5, v6  }
0x132: {  	v4 =	vand.u32 @!p0 $0x7F, v4;
	v3 =	vor.u32 @!p0 v3, v5  }
0x133: {  	v4 =	vor.u32 @!p0 v4, v3;
	_ =	sdelay $0x3  }
0x134: {  	s26 =	simm.s32 @!p0 $0x1D00;
	v3 =	vimm.s32 @!p0 $0x1  }
0x135: {  	[tilespmem:v4+s26+$0x0] =	vst.idx.msk @!p0 $0xffff, v3  }
0x136: {  	v4 =	vld [tilespmem:$0x1C10]  }
0x137: {  	v5 =	vld [tilespmem:s22+$0x10];
	_ =	sdelay $0x4  }
0x138: {  	v51 =	vshll.u32 v4, $0x8;
	v7 =	vshll.u32 v5, $0x3  }
0x139: {  	v4 =	vshll.u32 v4, $0x7;
	v6 =	vand.u32 $0xFFFFF800, v51;
	v7 =	vand.u32 $0xFFFFFC00, v7  }
0x13a: {  	v4 =	vand.u32 $0x380, v4;
	v6 =	vadd.s32 v6, v7  }
0x13b: {  	v5 =	vand.u32 $0x7F, v5;
	v4 =	vor.u32 v4, v6  }
0x13c: {  	v4 =	vor.u32 v5, v4;
	_ =	sdelay $0x4  }
0x13d: {  	[tilespmem:v4+s16+$0x0] =	vst.idx.msk $0xffff, v1  }
0x13e: {  	v4 =	vld [tilespmem:$0x1C20]  }
0x13f: {  	v5 =	vld [tilespmem:s22+$0x20];
	_ =	sdelay $0x4  }
0x140: {  	v52 =	vshll.u32 v4, $0x8;
	v53 =	vshll.u32 v5, $0x3  }
0x141: {  	v4 =	vshll.u32 v4, $0x7;
	v6 =	vand.u32 $0xFFFFF800, v52;
	v7 =	vand.u32 $0xFFFFFC00, v53  }
0x142: {  	v4 =	vand.u32 $0x380, v4;
	v6 =	vadd.s32 v6, v7  }
0x143: {  	v5 =	vand.u32 $0x7F, v5;
	v4 =	vor.u32 v4, v6  }
0x144: {  	v4 =	vor.u32 v5, v4;
	_ =	sdelay $0x4  }
0x145: {  	[tilespmem:v4+s16+$0x0] =	vst.idx.msk $0xffff, v1  }
0x146: {  	v4 =	vld [tilespmem:$0x1C30]  }
0x147: {  	v5 =	vld [tilespmem:s22+$0x30];
	_ =	sdelay $0x4  }
0x148: {  	v54 =	vshll.u32 v4, $0x8;
	v55 =	vshll.u32 v5, $0x3  }
0x149: {  	v4 =	vshll.u32 v4, $0x7;
	v6 =	vand.u32 $0xFFFFF800, v54;
	v7 =	vand.u32 $0xFFFFFC00, v55  }
0x14a: {  	v4 =	vand.u32 $0x380, v4;
	v6 =	vadd.s32 v6, v7  }
0x14b: {  	v5 =	vand.u32 $0x7F, v5;
	v4 =	vor.u32 v4, v6  }
0x14c: {  	v4 =	vor.u32 v5, v4;
	_ =	sdelay $0x4  }
0x14d: {  	[tilespmem:v4+s16+$0x0] =	vst.idx.msk $0xffff, v1  }
0x14e: {  	v4 =	vld [tilespmem:$0x1C40]  }
0x14f: {  	v5 =	vld [tilespmem:s22+$0x40];
	_ =	sdelay $0x4  }
0x150: {  	v56 =	vshll.u32 v4, $0x8;
	v57 =	vshll.u32 v5, $0x3  }
0x151: {  	v4 =	vshll.u32 v4, $0x7;
	v6 =	vand.u32 $0xFFFFF800, v56;
	v7 =	vand.u32 $0xFFFFFC00, v57  }
0x152: {  	v4 =	vand.u32 $0x380, v4;
	v6 =	vadd.s32 v6, v7  }
0x153: {  	v5 =	vand.u32 $0x7F, v5;
	v4 =	vor.u32 v4, v6  }
0x154: {  	v4 =	vor.u32 v5, v4;
	_ =	sdelay $0x4  }
0x155: {  	[tilespmem:v4+s16+$0x0] =	vst.idx.msk $0xffff, v1  }
0x156: {  	v4 =	vld [tilespmem:$0x1C50]  }
0x157: {  	v5 =	vld [tilespmem:s22+$0x50];
	_ =	sdelay $0x4  }
0x158: {  	v58 =	vshll.u32 v4, $0x8;
	v59 =	vshll.u32 v5, $0x3  }
0x159: {  	v4 =	vshll.u32 v4, $0x7;
	v6 =	vand.u32 $0xFFFFF800, v58;
	v7 =	vand.u32 $0xFFFFFC00, v59  }
0x15a: {  	v4 =	vand.u32 $0x380, v4;
	v6 =	vadd.s32 v6, v7  }
0x15b: {  	v5 =	vand.u32 $0x7F, v5;
	v4 =	vor.u32 v4, v6  }
0x15c: {  	v4 =	vor.u32 v5, v4;
	_ =	sdelay $0x4  }
0x15d: {  	[tilespmem:v4+s16+$0x0] =	vst.idx.msk $0xffff, v1  }
0x15e: {  	v4 =	vld [tilespmem:$0x1C60]  }
0x15f: {  	v5 =	vld [tilespmem:s22+$0x60];
	_ =	sdelay $0x4  }
0x160: {  	v60 =	vshll.u32 v4, $0x8;
	v61 =	vshll.u32 v5, $0x3  }
0x161: {  	v4 =	vshll.u32 v4, $0x7;
	v6 =	vand.u32 $0xFFFFF800, v60;
	v7 =	vand.u32 $0xFFFFFC00, v61  }
0x162: {  	v4 =	vand.u32 $0x380, v4;
	v6 =	vadd.s32 v6, v7  }
0x163: {  	v5 =	vand.u32 $0x7F, v5;
	v4 =	vor.u32 v4, v6  }
0x164: {  	v4 =	vor.u32 v5, v4;
	_ =	sdelay $0x4  }
0x165: {  	[tilespmem:v4+s16+$0x0] =	vst.idx.msk $0xffff, v1  }
0x166: {  	v4 =	vld [tilespmem:$0x1C70]  }
0x167: {  	v5 =	vld [tilespmem:s22+$0x70];
	_ =	sdelay $0x4  }
0x168: {  	v62 =	vshll.u32 v4, $0x8;
	v63 =	vshll.u32 v5, $0x3  }
0x169: {  	v4 =	vshll.u32 v4, $0x7;
	v6 =	vand.u32 $0xFFFFF800, v62;
	v7 =	vand.u32 $0xFFFFFC00, v63  }
0x16a: {  	v4 =	vand.u32 $0x380, v4;
	v6 =	vadd.s32 v6, v7  }
0x16b: {  	v5 =	vand.u32 $0x7F, v5;
	v4 =	vor.u32 v4, v6  }
0x16c: {  	v4 =	vor.u32 v5, v4;
	_ =	sdelay $0x1  }
.Ltmp6:
0x16d: {  	_ = 	snop;
	(pc) =	sbr.rel @p1 .LBB2_8-.Ltmp6, $3  }
0x16e: {  	_ =	sdelay $0x1  }
0x16f: {  	[tilespmem:v4+s16+$0x0] =	vst.idx.msk $0xffff, v1  }
0x170: {  	[hbm4b:s23+s1] =	stream.linear.scatter [tilespmem:s16], [sflag:$0x1], $0x8000, $0x38;
	[tilespmem:$0x11D00] =	vst v63  }
0x171: {  	_ =	swait.ge [sflag:s19], $0x8000  }
0x172: {  	[sflag:s19] =	ssyncset.done $0x0  }
0x173: {  	[sflag:s19] =	ssyncadd.s32 $0xFFFF8000  }
0x174: {  	v4 =	vld [tilespmem:$0x1C00]  }
0x175: {  	v5 =	vld [tilespmem:s22+$0xFFFFFF80];
	_ =	sdelay $0x4  }
0x176: {  	v6 =	vshll.u32 v4, $0x8;
	v7 =	vshll.u32 v5, $0x3  }
0x177: {  	v4 =	vshll.u32 v4, $0x7;
	v6 =	vand.u32 $0xFFFFF800, v6;
	v7 =	vand.u32 $0xFFFFFC00, v7  }
0x178: {  	v4 =	vand.u32 $0x380, v4;
	v6 =	vadd.s32 v6, v7  }
0x179: {  	v5 =	vand.u32 $0x7F, v5;
	v4 =	vor.u32 v4, v6  }
0x17a: {  	v4 =	vor.u32 v5, v4;
	_ =	sdelay $0x4  }
0x17b: {  	[tilespmem:v4+s17+$0x0] =	vst.idx.msk $0xffff, v0  }
0x17c: {  	v4 =	vld [tilespmem:$0x1C10]  }
0x17d: {  	v5 =	vld [tilespmem:s22+$0xFFFFFF90];
	_ =	sdelay $0x4  }
0x17e: {  	v50 =	vshll.u32 v4, $0x8;
	v51 =	vshll.u32 v5, $0x3  }
0x17f: {  	v4 =	vshll.u32 v4, $0x7;
	v6 =	vand.u32 $0xFFFFF800, v50;
	v7 =	vand.u32 $0xFFFFFC00, v51  }
0x180: {  	v4 =	vand.u32 $0x380, v4;
	v6 =	vadd.s32 v6, v7  }
0x181: {  	v5 =	vand.u32 $0x7F, v5;
	v4 =	vor.u32 v4, v6  }
0x182: {  	v4 =	vor.u32 v5, v4;
	_ =	sdelay $0x4  }
0x183: {  	[tilespmem:v4+s17+$0x0] =	vst.idx.msk $0xffff, v0  }
0x184: {  	v4 =	vld [tilespmem:$0x1C20]  }
0x185: {  	v5 =	vld [tilespmem:s22+$0xFFFFFFA0];
	_ =	sdelay $0x4  }
0x186: {  	v52 =	vshll.u32 v4, $0x8;
	v53 =	vshll.u32 v5, $0x3  }
0x187: {  	v4 =	vshll.u32 v4, $0x7;
	v6 =	vand.u32 $0xFFFFF800, v52;
	v7 =	vand.u32 $0xFFFFFC00, v53  }
0x188: {  	v4 =	vand.u32 $0x380, v4;
	v6 =	vadd.s32 v6, v7  }
0x189: {  	v5 =	vand.u32 $0x7F, v5;
	v4 =	vor.u32 v4, v6  }
0x18a: {  	v4 =	vor.u32 v5, v4;
	_ =	sdelay $0x4  }
0x18b: {  	[tilespmem:v4+s17+$0x0] =	vst.idx.msk $0xffff, v0  }
0x18c: {  	v4 =	vld [tilespmem:$0x1C30]  }
0x18d: {  	v5 =	vld [tilespmem:s22+$0xFFFFFFB0];
	_ =	sdelay $0x4  }
0x18e: {  	v54 =	vshll.u32 v4, $0x8;
	v55 =	vshll.u32 v5, $0x3  }
0x18f: {  	v4 =	vshll.u32 v4, $0x7;
	v6 =	vand.u32 $0xFFFFF800, v54;
	v7 =	vand.u32 $0xFFFFFC00, v55  }
0x190: {  	v4 =	vand.u32 $0x380, v4;
	v6 =	vadd.s32 v6, v7  }
0x191: {  	v5 =	vand.u32 $0x7F, v5;
	v4 =	vor.u32 v4, v6  }
0x192: {  	v4 =	vor.u32 v5, v4;
	_ =	sdelay $0x4  }
0x193: {  	[tilespmem:v4+s17+$0x0] =	vst.idx.msk $0xffff, v0  }
0x194: {  	v4 =	vld [tilespmem:$0x1C40]  }
0x195: {  	v5 =	vld [tilespmem:s22+$0xFFFFFFC0];
	_ =	sdelay $0x4  }
0x196: {  	v56 =	vshll.u32 v4, $0x8;
	v57 =	vshll.u32 v5, $0x3  }
0x197: {  	v4 =	vshll.u32 v4, $0x7;
	v6 =	vand.u32 $0xFFFFF800, v56;
	v7 =	vand.u32 $0xFFFFFC00, v57  }
0x198: {  	v4 =	vand.u32 $0x380, v4;
	v6 =	vadd.s32 v6, v7  }
0x199: {  	v5 =	vand.u32 $0x7F, v5;
	v4 =	vor.u32 v4, v6  }
0x19a: {  	v4 =	vor.u32 v5, v4;
	_ =	sdelay $0x4  }
0x19b: {  	[tilespmem:v4+s17+$0x0] =	vst.idx.msk $0xffff, v0  }
0x19c: {  	v4 =	vld [tilespmem:$0x1C50]  }
0x19d: {  	v5 =	vld [tilespmem:s22+$0xFFFFFFD0];
	_ =	sdelay $0x4  }
0x19e: {  	v58 =	vshll.u32 v4, $0x8;
	v59 =	vshll.u32 v5, $0x3  }
0x19f: {  	v4 =	vshll.u32 v4, $0x7;
	v6 =	vand.u32 $0xFFFFF800, v58;
	v7 =	vand.u32 $0xFFFFFC00, v59  }
0x1a0: {  	v4 =	vand.u32 $0x380, v4;
	v6 =	vadd.s32 v6, v7  }
0x1a1: {  	v5 =	vand.u32 $0x7F, v5;
	v4 =	vor.u32 v4, v6  }
0x1a2: {  	v4 =	vor.u32 v5, v4;
	_ =	sdelay $0x4  }
0x1a3: {  	[tilespmem:v4+s17+$0x0] =	vst.idx.msk $0xffff, v0  }
0x1a4: {  	v4 =	vld [tilespmem:$0x1C60]  }
0x1a5: {  	v5 =	vld [tilespmem:s22+$0xFFFFFFE0];
	_ =	sdelay $0x4  }
0x1a6: {  	v60 =	vshll.u32 v4, $0x8;
	v61 =	vshll.u32 v5, $0x3  }
0x1a7: {  	v4 =	vshll.u32 v4, $0x7;
	v6 =	vand.u32 $0xFFFFF800, v60;
	v7 =	vand.u32 $0xFFFFFC00, v61  }
0x1a8: {  	v4 =	vand.u32 $0x380, v4;
	v6 =	vadd.s32 v6, v7  }
0x1a9: {  	v5 =	vand.u32 $0x7F, v5;
	v4 =	vor.u32 v4, v6  }
0x1aa: {  	v4 =	vor.u32 v5, v4;
	_ =	sdelay $0x4  }
0x1ab: {  	[tilespmem:v4+s17+$0x0] =	vst.idx.msk $0xffff, v0  }
0x1ac: {  	v4 =	vld [tilespmem:$0x1C70]  }
0x1ad: {  	v5 =	vld [tilespmem:s22+$0xFFFFFFF0];
	_ =	sdelay $0x4  }
0x1ae: {  	v62 =	vshll.u32 v4, $0x8;
	v63 =	vshll.u32 v5, $0x3  }
0x1af: {  	v4 =	vshll.u32 v4, $0x7;
	v6 =	vand.u32 $0xFFFFF800, v62;
	v7 =	vand.u32 $0xFFFFFC00, v63  }
0x1b0: {  	v4 =	vand.u32 $0x380, v4;
	v6 =	vadd.s32 v6, v7  }
0x1b1: {  	v5 =	vand.u32 $0x7F, v5;
	v4 =	vor.u32 v4, v6  }
0x1b2: {  	v4 =	vor.u32 v5, v4  }
.Ltmp7:
0x1b3: {  	_ = 	snop;
	(pc) =	sbr.rel .LBB2_8-.Ltmp7, $2  }
0x1b4: {  	_ =	sdelay $0x2  }
0x1b5: {  	[tilespmem:v4+s17+$0x0] =	vst.idx.msk $0xffff, v0  }
.LBB2_10:
0x1b6: {  	_ =	sfence.sel $0x180000  }
0x1b7: {  	[bflag:$0x0] =	sbarrier.arrive $0xFFFF  }
0x1b8: {  	p0 =	sne.s32 s2, $0x0;
	_ =	strace $0x90000047  }
0x1b9: {  	s0 =	sadd.s32 @!p0 $0x100000, s0;
	[bflag:$0x2] =	sbarrier.arrive $0xFFFF  }
0x1ba: {  	[sflag:s0] =	ssyncadd.tile.s32 @!p0 $0x1;
	_ =	shalt  }
.Lfunc_end2:
_tile_overlayer_lowered:
.L_overlay_start_2:
0x1bb: {  	(tag) =	ssettag $0x2  }
0x1bc: {  	s0 =	rddreg [dreg:$0x0];
	s2 =	stileid.u32  }
0x1bd: {  	s1 =	rddreg [dreg:$0x1];
	p0 =	sne.s32 s2, $0x0  }
0x1be: {  	s3 =	rddreg [dreg:$0x2];
	[bflag:$0x3] =	sbarrier.arrive $0xFFFF;
	s2 =	simm.s32 @!p0 $0x1C03  }
0x1bf: {  	[timem:s3], [sflag:s2] =	dma.local @!p0 [hbm:s0], s1  }
0x1c0: {  	s0 =	simm.s32 @!p0 $0x3  }
0x1c1: {  	_ =	swait.ge @!p0 [sflag:s0], s1  }
0x1c2: {  	s1 =	ssub.s32 @!p0 $0x0, s1;
	[sflag:s0] =	ssyncset.done @!p0 $0x0  }
0x1c3: {  	[sflag:s0] =	ssyncadd.s32 @!p0 s1  }
0x1c4: {  	[bflag:$0x3] =	sbarrier.arrive $0xFFFF  }
0x1c5: {  	_ =	shalt  }

</sc_bundles>
